<compile_context>
chip_gen: v7x
topology: tpu7x:2x2x1
jax: 0.10.2.dev20260603
libtpu: 0.0.44.dev20260713+nightly
codegen_flags: <defaults>
</compile_context>

<pallas_src>
import functools

import jax
import jax.numpy as jnp
from jax import lax
from jax.experimental import pallas as pl
from jax.experimental.pallas import tpu as pltpu
from jax.experimental.pallas import tpu_sc as plsc

L = 16


@functools.cache
def _build(B, V, E):
    info = plsc.get_sparse_core_info()
    NC, NS = info.num_cores, info.num_subcores
    NW = NC * NS
    b_w = B // NW
    G = b_w // L
    mesh = plsc.VectorSubcoreMesh(core_axis_name="c", subcore_axis_name="s")

    @functools.partial(
        pl.kernel,
        mesh=mesh,
        out_type=jax.ShapeDtypeStruct((NC, L), jnp.float32),
        compiler_params=pltpu.CompilerParams(
            needs_layout_passes=False, use_tc_tiling_on_sc=False),
        scratch_types=[
            pltpu.VMEM((b_w,), jnp.int32),
            pltpu.VMEM((b_w,), jnp.int32),
            pltpu.VMEM((b_w,), jnp.float32),
            pltpu.VMEM((b_w, E), jnp.float32),
            pltpu.VMEM((b_w, E), jnp.float32),
            pltpu.VMEM((b_w,), jnp.float32),
            pltpu.VMEM((b_w,), jnp.float32),
            pltpu.VMEM((L,), jnp.float32),
            pltpu.VMEM((NS, L), jnp.float32),
            pltpu.VMEM_SHARED((NS, L), jnp.float32),
            pltpu.SemaphoreType.DMA,
            pltpu.SemaphoreType.DMA,
            pltpu.SemaphoreType.DMA,
            pltpu.SemaphoreType.DMA,
        ],
    )
    def glove_kernel(cw_hbm, tw_hbm, w_hbm, ev_hbm, eu_hbm, vb_hbm, ub_hbm,
                     out_hbm, idx_c, idx_t, w_v, rows_v, rows_u, bias_c,
                     bias_t, res_v, part_v, shared, sem0, sem1, sem2, sem3):
        cid = lax.axis_index("c")
        sid = lax.axis_index("s")
        wid = sid * NC + cid
        base = wid * b_w

        pltpu.sync_copy(cw_hbm.at[pl.ds(base, b_w)], idx_c)
        pltpu.sync_copy(tw_hbm.at[pl.ds(base, b_w)], idx_t)
        pltpu.sync_copy(w_hbm.at[pl.ds(base, b_w)], w_v)
        cp0 = pltpu.async_copy(ev_hbm.at[idx_c], rows_v, sem0)
        cp1 = pltpu.async_copy(eu_hbm.at[idx_t], rows_u, sem1)
        cp2 = pltpu.async_copy(vb_hbm.at[idx_c], bias_c, sem2)
        cp3 = pltpu.async_copy(ub_hbm.at[idx_t], bias_t, sem3)
        cp0.wait()
        cp1.wait()
        cp2.wait()
        cp3.wait()

        lane = lax.iota(jnp.int32, L)

        def group(g, acc):
            rid = g * L + lane
            ip = jnp.zeros((L,), jnp.float32)
            for e in range(E):
                col = jnp.full((L,), e, jnp.int32)
                cv = plsc.load_gather(rows_v, [rid, col])
                tv = plsc.load_gather(rows_u, [rid, col])
                ip = ip + cv * tv
            cb = bias_c[pl.ds(g * L, L)]
            tb = bias_t[pl.ds(g * L, L)]
            w = w_v[pl.ds(g * L, L)]
            t = ip + cb + tb
            return acc + w * t * t

        acc = lax.fori_loop(0, G, group, jnp.zeros((L,), jnp.float32))

        res_v[...] = acc
        pltpu.sync_copy(res_v, shared.at[sid])
        plsc.subcore_barrier()

        @pl.when(sid == 0)
        def _():
            pltpu.sync_copy(shared, part_v)
            tot = jnp.zeros((L,), jnp.float32)
            for s in range(NS):
                tot = tot + part_v[s]
            total = jnp.sum(tot)
            res_v[...] = jnp.full((L,), total, jnp.float32)
            pltpu.sync_copy(res_v, out_hbm.at[cid])

    return glove_kernel


def kernel(center_words, target_words, co_occurrences, weighting,
           emb_v, emb_u, v_bias, u_bias):
    B = center_words.shape[0]
    V, E = emb_v.shape
    cw = center_words.reshape(B)
    tw = target_words.reshape(B)
    w = weighting.reshape(B)
    vb = v_bias.reshape(V)
    ub = u_bias.reshape(V)
    out = _build(B, V, E)(cw, tw, w, emb_v, emb_u, vb, ub)
    return out[0, 0] + out[1, 0]

# --- scband reference (transcript-rebuilt; emitter-appended) ---
"""Pipeline reference for scband-glo-ve-80607946211328 (READ-ONLY COPY).

The authoritative reference and input builder live on the scoring server;
editing this copy changes nothing except your own understanding.
"""

import jax, jax.numpy as jnp
import numpy as np

V = 1000000
E = 64
B = 16384

def setup_inputs(seed: int = 0) -> dict:
    key = jax.random.key(seed)
    ks = jax.random.split(key, 8)
    center_words = jax.random.randint(ks[0], (B, 1), 0, V)
    target_words = jax.random.randint(ks[1], (B, 1), 0, V)
    co_occurrences = jax.random.uniform(ks[2], (B, 1), dtype=jnp.float32)
    weighting = jax.random.uniform(ks[3], (B, 1), dtype=jnp.float32)
    emb_v = jax.random.normal(ks[4], (V, E), dtype=jnp.float32) * 0.02
    emb_u = jax.random.normal(ks[5], (V, E), dtype=jnp.float32) * 0.02
    v_bias = jax.random.normal(ks[6], (V, 1), dtype=jnp.float32) * 0.02
    u_bias = jax.random.normal(ks[7], (V, 1), dtype=jnp.float32) * 0.02
    return {
        'center_words': center_words,
        'target_words': target_words,
        'co_occurrences': co_occurrences,
        'weighting': weighting,
        'emb_v': emb_v,
        'emb_u': emb_u,
        'v_bias': v_bias,
        'u_bias': u_bias,
    }

def reference(center_words, target_words, co_occurrences, weighting, emb_v, emb_u, v_bias, u_bias):
    # embedding lookups (gather)
    center_embeds = jnp.take(emb_v, center_words, axis=0)   # [B, 1, E]
    target_embeds = jnp.take(emb_u, target_words, axis=0)   # [B, 1, E]
    center_bias = jnp.take(v_bias, center_words, axis=0)[:, 0, :]  # [B,1,1].squeeze(1) -> [B, 1]
    target_bias = jnp.take(u_bias, target_words, axis=0)[:, 0, :]  # [B, 1]
    # bmm: [B,1,E] @ [B,E,1] -> [B,1,1], squeeze(2) -> [B,1]
    inner_product = jnp.matmul(target_embeds, jnp.swapaxes(center_embeds, 1, 2))[:, :, 0]
    loss = weighting * jnp.power(inner_product + center_bias + target_bias, 2)
    return jnp.sum(loss)

if __name__ == "__main__":
    import jax
    _d = setup_inputs()
    print(jax.jit(kernel)(*tuple(_d.values())))

</pallas_src>

<mosaic_0001>
#map = affine_map<(d0, d1) -> (0)>
#map1 = affine_map<(d0, d1) -> (0, 0)>
module attributes {stable_mosaic.version = 14 : i64} {
  func.func @glove_kernel(%arg0: i32, %arg1: i32, %arg2: memref<16384xi32, #tpu.memory_space<hbm>>, %arg3: memref<16384xi32, #tpu.memory_space<hbm>>, %arg4: memref<16384xf32, #tpu.memory_space<hbm>>, %arg5: memref<1000000x64xf32, #tpu.memory_space<hbm>>, %arg6: memref<1000000x64xf32, #tpu.memory_space<hbm>>, %arg7: memref<1000000xf32, #tpu.memory_space<hbm>>, %arg8: memref<1000000xf32, #tpu.memory_space<hbm>>, %arg9: memref<2x16xf32, #tpu.memory_space<hbm>>, %arg10: memref<512xi32, #tpu.memory_space<vmem>>, %arg11: memref<512xi32, #tpu.memory_space<vmem>>, %arg12: memref<512xf32, #tpu.memory_space<vmem>>, %arg13: memref<512x64xf32, #tpu.memory_space<vmem>>, %arg14: memref<512x64xf32, #tpu.memory_space<vmem>>, %arg15: memref<512xf32, #tpu.memory_space<vmem>>, %arg16: memref<512xf32, #tpu.memory_space<vmem>>, %arg17: memref<16xf32, #tpu.memory_space<vmem>>, %arg18: memref<16x16xf32, #tpu.memory_space<vmem>>, %arg19: memref<16x16xf32, #tpu.memory_space<vmem_shared>>, %arg20: memref<!tpu.dma_semaphore, #tpu.memory_space<semaphore_mem>>, %arg21: memref<!tpu.dma_semaphore, #tpu.memory_space<semaphore_mem>>, %arg22: memref<!tpu.dma_semaphore, #tpu.memory_space<semaphore_mem>>, %arg23: memref<!tpu.dma_semaphore, #tpu.memory_space<semaphore_mem>>) attributes {dimension_semantics = [#tpu.dimension_semantics<core_parallel>, #tpu.dimension_semantics<subcore_parallel>], iteration_bounds = array<i64: 2, 16>, scalar_prefetch = 0 : i64, scratch_operands = 14 : i64, tpu.core_type = #tpu.core_type<sc_vector_subcore>, window_params = [{transform_indices = #map}, {transform_indices = #map}, {transform_indices = #map}, {transform_indices = #map1}, {transform_indices = #map1}, {transform_indices = #map}, {transform_indices = #map}, {transform_indices = #map1}]} {
    %mul3A = arith.constant 2 : i32
    %mul3A_0 = arith.muli %arg1, %mul3A : i32
    %add3A = arith.addi %mul3A_0, %arg0 : i32
    %mul3A_1 = arith.constant 512 : i32
    %mul3A_2 = arith.muli %add3A, %mul3A_1 : i32
    "tpu.region"() ({
      %run_scoped3A = tpu.sem_alloc : memref<!tpu.dma_semaphore, #tpu.memory_space<semaphore_mem>>
      %dma_start3A_30 = tpu.memref_slice %arg2[%mul3A_2] : memref<16384xi32, #tpu.memory_space<hbm>> -> memref<512xi32, #tpu.memory_space<hbm>>
      %dma_start3A_31 = tpu.memref_slice %arg2[%mul3A_2] : memref<16384xi32, #tpu.memory_space<hbm>> -> memref<512xi32, #tpu.memory_space<hbm>>
      tpu.enqueue_dma source(%dma_start3A_31 : memref<512xi32, #tpu.memory_space<hbm>>) target(%arg10 : memref<512xi32, #tpu.memory_space<vmem>>) target_semaphore(%run_scoped3A : memref<!tpu.dma_semaphore, #tpu.memory_space<semaphore_mem>>)
      %dma_wait3A_32 = tpu.memref_slice %arg2[%mul3A_2] : memref<16384xi32, #tpu.memory_space<hbm>> -> memref<512xi32, #tpu.memory_space<hbm>>
      %dma_wait3A_33 = tpu.memref_slice %arg2[%mul3A_2] : memref<16384xi32, #tpu.memory_space<hbm>> -> memref<512xi32, #tpu.memory_space<hbm>>
      tpu.wait_dma2 semaphore(%run_scoped3A : memref<!tpu.dma_semaphore, #tpu.memory_space<semaphore_mem>>) src(%dma_wait3A_33 : memref<512xi32, #tpu.memory_space<hbm>>) dst(%arg10 : memref<512xi32, #tpu.memory_space<vmem>>)
      tpu.yield
    }) : () -> ()
    "tpu.region"() ({
      %run_scoped3A = tpu.sem_alloc : memref<!tpu.dma_semaphore, #tpu.memory_space<semaphore_mem>>
      %dma_start3A_30 = tpu.memref_slice %arg3[%mul3A_2] : memref<16384xi32, #tpu.memory_space<hbm>> -> memref<512xi32, #tpu.memory_space<hbm>>
      %dma_start3A_31 = tpu.memref_slice %arg3[%mul3A_2] : memref<16384xi32, #tpu.memory_space<hbm>> -> memref<512xi32, #tpu.memory_space<hbm>>
      tpu.enqueue_dma source(%dma_start3A_31 : memref<512xi32, #tpu.memory_space<hbm>>) target(%arg11 : memref<512xi32, #tpu.memory_space<vmem>>) target_semaphore(%run_scoped3A : memref<!tpu.dma_semaphore, #tpu.memory_space<semaphore_mem>>)
      %dma_wait3A_32 = tpu.memref_slice %arg3[%mul3A_2] : memref<16384xi32, #tpu.memory_space<hbm>> -> memref<512xi32, #tpu.memory_space<hbm>>
      %dma_wait3A_33 = tpu.memref_slice %arg3[%mul3A_2] : memref<16384xi32, #tpu.memory_space<hbm>> -> memref<512xi32, #tpu.memory_space<hbm>>
      tpu.wait_dma2 semaphore(%run_scoped3A : memref<!tpu.dma_semaphore, #tpu.memory_space<semaphore_mem>>) src(%dma_wait3A_33 : memref<512xi32, #tpu.memory_space<hbm>>) dst(%arg11 : memref<512xi32, #tpu.memory_space<vmem>>)
      tpu.yield
    }) : () -> ()
    "tpu.region"() ({
      %run_scoped3A = tpu.sem_alloc : memref<!tpu.dma_semaphore, #tpu.memory_space<semaphore_mem>>
      %dma_start3A_30 = tpu.memref_slice %arg4[%mul3A_2] : memref<16384xf32, #tpu.memory_space<hbm>> -> memref<512xf32, #tpu.memory_space<hbm>>
      %dma_start3A_31 = tpu.memref_slice %arg4[%mul3A_2] : memref<16384xf32, #tpu.memory_space<hbm>> -> memref<512xf32, #tpu.memory_space<hbm>>
      tpu.enqueue_dma source(%dma_start3A_31 : memref<512xf32, #tpu.memory_space<hbm>>) target(%arg12 : memref<512xf32, #tpu.memory_space<vmem>>) target_semaphore(%run_scoped3A : memref<!tpu.dma_semaphore, #tpu.memory_space<semaphore_mem>>)
      %dma_wait3A_32 = tpu.memref_slice %arg4[%mul3A_2] : memref<16384xf32, #tpu.memory_space<hbm>> -> memref<512xf32, #tpu.memory_space<hbm>>
      %dma_wait3A_33 = tpu.memref_slice %arg4[%mul3A_2] : memref<16384xf32, #tpu.memory_space<hbm>> -> memref<512xf32, #tpu.memory_space<hbm>>
      tpu.wait_dma2 semaphore(%run_scoped3A : memref<!tpu.dma_semaphore, #tpu.memory_space<semaphore_mem>>) src(%dma_wait3A_33 : memref<512xf32, #tpu.memory_space<hbm>>) dst(%arg12 : memref<512xf32, #tpu.memory_space<vmem>>)
      tpu.yield
    }) : () -> ()
    %dma_start3A = arith.constant 0 : i32
    %dma_start3A_3 = arith.constant 0 : i32
    %dma_start3A_4 = tpu.memref_slice %arg5[%dma_start3A, %dma_start3A_3] : memref<1000000x64xf32, #tpu.memory_space<hbm>> -> memref<1000000x64xf32, #tpu.memory_space<hbm>>
    tpu.enqueue_indirect_dma source(%dma_start3A_4 : memref<1000000x64xf32, #tpu.memory_space<hbm>>) target(%arg13 : memref<512x64xf32, #tpu.memory_space<vmem>>) offsets(%arg10 : memref<512xi32, #tpu.memory_space<vmem>>) semaphore(%arg20 : memref<!tpu.dma_semaphore, #tpu.memory_space<semaphore_mem>>)
    %dma_start3A_5 = arith.constant 0 : i32
    %dma_start3A_6 = arith.constant 0 : i32
    %dma_start3A_7 = tpu.memref_slice %arg6[%dma_start3A_5, %dma_start3A_6] : memref<1000000x64xf32, #tpu.memory_space<hbm>> -> memref<1000000x64xf32, #tpu.memory_space<hbm>>
    tpu.enqueue_indirect_dma source(%dma_start3A_7 : memref<1000000x64xf32, #tpu.memory_space<hbm>>) target(%arg14 : memref<512x64xf32, #tpu.memory_space<vmem>>) offsets(%arg11 : memref<512xi32, #tpu.memory_space<vmem>>) semaphore(%arg21 : memref<!tpu.dma_semaphore, #tpu.memory_space<semaphore_mem>>)
    %dma_start3A_8 = arith.constant 0 : i32
    %dma_start3A_9 = tpu.memref_slice %arg7[%dma_start3A_8] : memref<1000000xf32, #tpu.memory_space<hbm>> -> memref<1000000xf32, #tpu.memory_space<hbm>>
    tpu.enqueue_indirect_dma source(%dma_start3A_9 : memref<1000000xf32, #tpu.memory_space<hbm>>) target(%arg15 : memref<512xf32, #tpu.memory_space<vmem>>) offsets(%arg10 : memref<512xi32, #tpu.memory_space<vmem>>) semaphore(%arg22 : memref<!tpu.dma_semaphore, #tpu.memory_space<semaphore_mem>>)
    %dma_start3A_10 = arith.constant 0 : i32
    %dma_start3A_11 = tpu.memref_slice %arg8[%dma_start3A_10] : memref<1000000xf32, #tpu.memory_space<hbm>> -> memref<1000000xf32, #tpu.memory_space<hbm>>
    tpu.enqueue_indirect_dma source(%dma_start3A_11 : memref<1000000xf32, #tpu.memory_space<hbm>>) target(%arg16 : memref<512xf32, #tpu.memory_space<vmem>>) offsets(%arg11 : memref<512xi32, #tpu.memory_space<vmem>>) semaphore(%arg23 : memref<!tpu.dma_semaphore, #tpu.memory_space<semaphore_mem>>)
    %dma_wait3A = arith.constant 0 : i32
    %dma_wait3A_12 = arith.constant 0 : i32
    %dma_wait3A_13 = tpu.memref_slice %arg5[%dma_wait3A, %dma_wait3A_12] : memref<1000000x64xf32, #tpu.memory_space<hbm>> -> memref<1000000x64xf32, #tpu.memory_space<hbm>>
    tpu.wait_indirect_dma semaphore(%arg20 : memref<!tpu.dma_semaphore, #tpu.memory_space<semaphore_mem>>) src(%dma_wait3A_13 : memref<1000000x64xf32, #tpu.memory_space<hbm>>) dst(%arg13 : memref<512x64xf32, #tpu.memory_space<vmem>>)
    %dma_wait3A_14 = arith.constant 0 : i32
    %dma_wait3A_15 = arith.constant 0 : i32
    %dma_wait3A_16 = tpu.memref_slice %arg6[%dma_wait3A_14, %dma_wait3A_15] : memref<1000000x64xf32, #tpu.memory_space<hbm>> -> memref<1000000x64xf32, #tpu.memory_space<hbm>>
    tpu.wait_indirect_dma semaphore(%arg21 : memref<!tpu.dma_semaphore, #tpu.memory_space<semaphore_mem>>) src(%dma_wait3A_16 : memref<1000000x64xf32, #tpu.memory_space<hbm>>) dst(%arg14 : memref<512x64xf32, #tpu.memory_space<vmem>>)
    %dma_wait3A_17 = arith.constant 0 : i32
    %dma_wait3A_18 = tpu.memref_slice %arg7[%dma_wait3A_17] : memref<1000000xf32, #tpu.memory_space<hbm>> -> memref<1000000xf32, #tpu.memory_space<hbm>>
    tpu.wait_indirect_dma semaphore(%arg22 : memref<!tpu.dma_semaphore, #tpu.memory_space<semaphore_mem>>) src(%dma_wait3A_18 : memref<1000000xf32, #tpu.memory_space<hbm>>) dst(%arg15 : memref<512xf32, #tpu.memory_space<vmem>>)
    %dma_wait3A_19 = arith.constant 0 : i32
    %dma_wait3A_20 = tpu.memref_slice %arg8[%dma_wait3A_19] : memref<1000000xf32, #tpu.memory_space<hbm>> -> memref<1000000xf32, #tpu.memory_space<hbm>>
    tpu.wait_indirect_dma semaphore(%arg23 : memref<!tpu.dma_semaphore, #tpu.memory_space<semaphore_mem>>) src(%dma_wait3A_20 : memref<1000000xf32, #tpu.memory_space<hbm>>) dst(%arg16 : memref<512xf32, #tpu.memory_space<vmem>>)
    %iota3A = tpu.iota {dimensions = array<i32: 0>} : vector<16xi32>
    %broadcast_in_dim3A = arith.constant 0.000000e+00 : f32
    %broadcast_in_dim3A_21 = vector.broadcast %broadcast_in_dim3A : f32 to vector<16xf32>
    %scan3A = arith.constant 0 : i32
    %scan3A_22 = arith.constant 32 : i32
    %scan3A_23 = arith.addi %scan3A, %scan3A_22 : i32
    %scan3A_24 = arith.constant 1 : i32
    %scan3A_25 = scf.for %scan3A_30 = %scan3A to %scan3A_23 step %scan3A_24 iter_args(%scan3A_31 = %broadcast_in_dim3A_21) -> (vector<16xf32>)  : i32 {
      %mul3A_32 = arith.constant 16 : i32
      %mul3A_33 = arith.muli %scan3A_30, %mul3A_32 : i32
      %add3A_34 = vector.broadcast %mul3A_33 : i32 to vector<16xi32>
      %add3A_35 = arith.addi %add3A_34, %iota3A : vector<16xi32>
      %broadcast_in_dim3A_36 = arith.constant 0.000000e+00 : f32
      %broadcast_in_dim3A_37 = vector.broadcast %broadcast_in_dim3A_36 : f32 to vector<16xf32>
      %broadcast_in_dim3A_38 = arith.constant 0 : i32
      %broadcast_in_dim3A_39 = vector.broadcast %broadcast_in_dim3A_38 : i32 to vector<16xi32>
      %gather3A = tpu.vector_load_idx %arg13[%add3A_35, %broadcast_in_dim3A_39] : memref<512x64xf32, #tpu.memory_space<vmem>>[vector<16xi32>, vector<16xi32>], vector<16xf32>,
      %gather3A_40 = tpu.vector_load_idx %arg14[%add3A_35, %broadcast_in_dim3A_39] : memref<512x64xf32, #tpu.memory_space<vmem>>[vector<16xi32>, vector<16xi32>], vector<16xf32>,
      %mul3A_41 = arith.mulf %gather3A, %gather3A_40 : vector<16xf32>
      %add3A_42 = arith.addf %broadcast_in_dim3A_37, %mul3A_41 : vector<16xf32>
      %broadcast_in_dim3A_43 = arith.constant 1 : i32
      %broadcast_in_dim3A_44 = vector.broadcast %broadcast_in_dim3A_43 : i32 to vector<16xi32>
      %gather3A_45 = tpu.vector_load_idx %arg13[%add3A_35, %broadcast_in_dim3A_44] : memref<512x64xf32, #tpu.memory_space<vmem>>[vector<16xi32>, vector<16xi32>], vector<16xf32>,
      %gather3A_46 = tpu.vector_load_idx %arg14[%add3A_35, %broadcast_in_dim3A_44] : memref<512x64xf32, #tpu.memory_space<vmem>>[vector<16xi32>, vector<16xi32>], vector<16xf32>,
      %mul3A_47 = arith.mulf %gather3A_45, %gather3A_46 : vector<16xf32>
      %add3A_48 = arith.addf %add3A_42, %mul3A_47 : vector<16xf32>
      %broadcast_in_dim3A_49 = arith.constant 2 : i32
      %broadcast_in_dim3A_50 = vector.broadcast %broadcast_in_dim3A_49 : i32 to vector<16xi32>
      %gather3A_51 = tpu.vector_load_idx %arg13[%add3A_35, %broadcast_in_dim3A_50] : memref<512x64xf32, #tpu.memory_space<vmem>>[vector<16xi32>, vector<16xi32>], vector<16xf32>,
      %gather3A_52 = tpu.vector_load_idx %arg14[%add3A_35, %broadcast_in_dim3A_50] : memref<512x64xf32, #tpu.memory_space<vmem>>[vector<16xi32>, vector<16xi32>], vector<16xf32>,
      %mul3A_53 = arith.mulf %gather3A_51, %gather3A_52 : vector<16xf32>
      %add3A_54 = arith.addf %add3A_48, %mul3A_53 : vector<16xf32>
      %broadcast_in_dim3A_55 = arith.constant 3 : i32
      %broadcast_in_dim3A_56 = vector.broadcast %broadcast_in_dim3A_55 : i32 to vector<16xi32>
      %gather3A_57 = tpu.vector_load_idx %arg13[%add3A_35, %broadcast_in_dim3A_56] : memref<512x64xf32, #tpu.memory_space<vmem>>[vector<16xi32>, vector<16xi32>], vector<16xf32>,
      %gather3A_58 = tpu.vector_load_idx %arg14[%add3A_35, %broadcast_in_dim3A_56] : memref<512x64xf32, #tpu.memory_space<vmem>>[vector<16xi32>, vector<16xi32>], vector<16xf32>,
      %mul3A_59 = arith.mulf %gather3A_57, %gather3A_58 : vector<16xf32>
      %add3A_60 = arith.addf %add3A_54, %mul3A_59 : vector<16xf32>
      %broadcast_in_dim3A_61 = arith.constant 4 : i32
      %broadcast_in_dim3A_62 = vector.broadcast %broadcast_in_dim3A_61 : i32 to vector<16xi32>
      %gather3A_63 = tpu.vector_load_idx %arg13[%add3A_35, %broadcast_in_dim3A_62] : memref<512x64xf32, #tpu.memory_space<vmem>>[vector<16xi32>, vector<16xi32>], vector<16xf32>,
      %gather3A_64 = tpu.vector_load_idx %arg14[%add3A_35, %broadcast_in_dim3A_62] : memref<512x64xf32, #tpu.memory_space<vmem>>[vector<16xi32>, vector<16xi32>], vector<16xf32>,
      %mul3A_65 = arith.mulf %gather3A_63, %gather3A_64 : vector<16xf32>
      %add3A_66 = arith.addf %add3A_60, %mul3A_65 : vector<16xf32>
      %broadcast_in_dim3A_67 = arith.constant 5 : i32
      %broadcast_in_dim3A_68 = vector.broadcast %broadcast_in_dim3A_67 : i32 to vector<16xi32>
      %gather3A_69 = tpu.vector_load_idx %arg13[%add3A_35, %broadcast_in_dim3A_68] : memref<512x64xf32, #tpu.memory_space<vmem>>[vector<16xi32>, vector<16xi32>], vector<16xf32>,
      %gather3A_70 = tpu.vector_load_idx %arg14[%add3A_35, %broadcast_in_dim3A_68] : memref<512x64xf32, #tpu.memory_space<vmem>>[vector<16xi32>, vector<16xi32>], vector<16xf32>,
      %mul3A_71 = arith.mulf %gather3A_69, %gather3A_70 : vector<16xf32>
      %add3A_72 = arith.addf %add3A_66, %mul3A_71 : vector<16xf32>
      %broadcast_in_dim3A_73 = arith.constant 6 : i32
      %broadcast_in_dim3A_74 = vector.broadcast %broadcast_in_dim3A_73 : i32 to vector<16xi32>
      %gather3A_75 = tpu.vector_load_idx %arg13[%add3A_35, %broadcast_in_dim3A_74] : memref<512x64xf32, #tpu.memory_space<vmem>>[vector<16xi32>, vector<16xi32>], vector<16xf32>,
      %gather3A_76 = tpu.vector_load_idx %arg14[%add3A_35, %broadcast_in_dim3A_74] : memref<512x64xf32, #tpu.memory_space<vmem>>[vector<16xi32>, vector<16xi32>], vector<16xf32>,
      %mul3A_77 = arith.mulf %gather3A_75, %gather3A_76 : vector<16xf32>
      %add3A_78 = arith.addf %add3A_72, %mul3A_77 : vector<16xf32>
      %broadcast_in_dim3A_79 = arith.constant 7 : i32
      %broadcast_in_dim3A_80 = vector.broadcast %broadcast_in_dim3A_79 : i32 to vector<16xi32>
      %gather3A_81 = tpu.vector_load_idx %arg13[%add3A_35, %broadcast_in_dim3A_80] : memref<512x64xf32, #tpu.memory_space<vmem>>[vector<16xi32>, vector<16xi32>], vector<16xf32>,
      %gather3A_82 = tpu.vector_load_idx %arg14[%add3A_35, %broadcast_in_dim3A_80] : memref<512x64xf32, #tpu.memory_space<vmem>>[vector<16xi32>, vector<16xi32>], vector<16xf32>,
      %mul3A_83 = arith.mulf %gather3A_81, %gather3A_82 : vector<16xf32>
      %add3A_84 = arith.addf %add3A_78, %mul3A_83 : vector<16xf32>
      %broadcast_in_dim3A_85 = arith.constant 8 : i32
      %broadcast_in_dim3A_86 = vector.broadcast %broadcast_in_dim3A_85 : i32 to vector<16xi32>
      %gather3A_87 = tpu.vector_load_idx %arg13[%add3A_35, %broadcast_in_dim3A_86] : memref<512x64xf32, #tpu.memory_space<vmem>>[vector<16xi32>, vector<16xi32>], vector<16xf32>,
      %gather3A_88 = tpu.vector_load_idx %arg14[%add3A_35, %broadcast_in_dim3A_86] : memref<512x64xf32, #tpu.memory_space<vmem>>[vector<16xi32>, vector<16xi32>], vector<16xf32>,
      %mul3A_89 = arith.mulf %gather3A_87, %gather3A_88 : vector<16xf32>
      %add3A_90 = arith.addf %add3A_84, %mul3A_89 : vector<16xf32>
      %broadcast_in_dim3A_91 = arith.constant 9 : i32
      %broadcast_in_dim3A_92 = vector.broadcast %broadcast_in_dim3A_91 : i32 to vector<16xi32>
      %gather3A_93 = tpu.vector_load_idx %arg13[%add3A_35, %broadcast_in_dim3A_92] : memref<512x64xf32, #tpu.memory_space<vmem>>[vector<16xi32>, vector<16xi32>], vector<16xf32>,
      %gather3A_94 = tpu.vector_load_idx %arg14[%add3A_35, %broadcast_in_dim3A_92] : memref<512x64xf32, #tpu.memory_space<vmem>>[vector<16xi32>, vector<16xi32>], vector<16xf32>,
      %mul3A_95 = arith.mulf %gather3A_93, %gather3A_94 : vector<16xf32>
      %add3A_96 = arith.addf %add3A_90, %mul3A_95 : vector<16xf32>
      %broadcast_in_dim3A_97 = arith.constant 10 : i32
      %broadcast_in_dim3A_98 = vector.broadcast %broadcast_in_dim3A_97 : i32 to vector<16xi32>
      %gather3A_99 = tpu.vector_load_idx %arg13[%add3A_35, %broadcast_in_dim3A_98] : memref<512x64xf32, #tpu.memory_space<vmem>>[vector<16xi32>, vector<16xi32>], vector<16xf32>,
      %gather3A_100 = tpu.vector_load_idx %arg14[%add3A_35, %broadcast_in_dim3A_98] : memref<512x64xf32, #tpu.memory_space<vmem>>[vector<16xi32>, vector<16xi32>], vector<16xf32>,
      %mul3A_101 = arith.mulf %gather3A_99, %gather3A_100 : vector<16xf32>
      %add3A_102 = arith.addf %add3A_96, %mul3A_101 : vector<16xf32>
      %broadcast_in_dim3A_103 = arith.constant 11 : i32
      %broadcast_in_dim3A_104 = vector.broadcast %broadcast_in_dim3A_103 : i32 to vector<16xi32>
      %gather3A_105 = tpu.vector_load_idx %arg13[%add3A_35, %broadcast_in_dim3A_104] : memref<512x64xf32, #tpu.memory_space<vmem>>[vector<16xi32>, vector<16xi32>], vector<16xf32>,
      %gather3A_106 = tpu.vector_load_idx %arg14[%add3A_35, %broadcast_in_dim3A_104] : memref<512x64xf32, #tpu.memory_space<vmem>>[vector<16xi32>, vector<16xi32>], vector<16xf32>,
      %mul3A_107 = arith.mulf %gather3A_105, %gather3A_106 : vector<16xf32>
      %add3A_108 = arith.addf %add3A_102, %mul3A_107 : vector<16xf32>
      %broadcast_in_dim3A_109 = arith.constant 12 : i32
      %broadcast_in_dim3A_110 = vector.broadcast %broadcast_in_dim3A_109 : i32 to vector<16xi32>
      %gather3A_111 = tpu.vector_load_idx %arg13[%add3A_35, %broadcast_in_dim3A_110] : memref<512x64xf32, #tpu.memory_space<vmem>>[vector<16xi32>, vector<16xi32>], vector<16xf32>,
      %gather3A_112 = tpu.vector_load_idx %arg14[%add3A_35, %broadcast_in_dim3A_110] : memref<512x64xf32, #tpu.memory_space<vmem>>[vector<16xi32>, vector<16xi32>], vector<16xf32>,
      %mul3A_113 = arith.mulf %gather3A_111, %gather3A_112 : vector<16xf32>
      %add3A_114 = arith.addf %add3A_108, %mul3A_113 : vector<16xf32>
      %broadcast_in_dim3A_115 = arith.constant 13 : i32
      %broadcast_in_dim3A_116 = vector.broadcast %broadcast_in_dim3A_115 : i32 to vector<16xi32>
      %gather3A_117 = tpu.vector_load_idx %arg13[%add3A_35, %broadcast_in_dim3A_116] : memref<512x64xf32, #tpu.memory_space<vmem>>[vector<16xi32>, vector<16xi32>], vector<16xf32>,
      %gather3A_118 = tpu.vector_load_idx %arg14[%add3A_35, %broadcast_in_dim3A_116] : memref<512x64xf32, #tpu.memory_space<vmem>>[vector<16xi32>, vector<16xi32>], vector<16xf32>,
      %mul3A_119 = arith.mulf %gather3A_117, %gather3A_118 : vector<16xf32>
      %add3A_120 = arith.addf %add3A_114, %mul3A_119 : vector<16xf32>
      %broadcast_in_dim3A_121 = arith.constant 14 : i32
      %broadcast_in_dim3A_122 = vector.broadcast %broadcast_in_dim3A_121 : i32 to vector<16xi32>
      %gather3A_123 = tpu.vector_load_idx %arg13[%add3A_35, %broadcast_in_dim3A_122] : memref<512x64xf32, #tpu.memory_space<vmem>>[vector<16xi32>, vector<16xi32>], vector<16xf32>,
      %gather3A_124 = tpu.vector_load_idx %arg14[%add3A_35, %broadcast_in_dim3A_122] : memref<512x64xf32, #tpu.memory_space<vmem>>[vector<16xi32>, vector<16xi32>], vector<16xf32>,
      %mul3A_125 = arith.mulf %gather3A_123, %gather3A_124 : vector<16xf32>
      %add3A_126 = arith.addf %add3A_120, %mul3A_125 : vector<16xf32>
      %broadcast_in_dim3A_127 = arith.constant 15 : i32
      %broadcast_in_dim3A_128 = vector.broadcast %broadcast_in_dim3A_127 : i32 to vector<16xi32>
      %gather3A_129 = tpu.vector_load_idx %arg13[%add3A_35, %broadcast_in_dim3A_128] : memref<512x64xf32, #tpu.memory_space<vmem>>[vector<16xi32>, vector<16xi32>], vector<16xf32>,
      %gather3A_130 = tpu.vector_load_idx %arg14[%add3A_35, %broadcast_in_dim3A_128] : memref<512x64xf32, #tpu.memory_space<vmem>>[vector<16xi32>, vector<16xi32>], vector<16xf32>,
      %mul3A_131 = arith.mulf %gather3A_129, %gather3A_130 : vector<16xf32>
      %add3A_132 = arith.addf %add3A_126, %mul3A_131 : vector<16xf32>
      %broadcast_in_dim3A_133 = arith.constant 16 : i32
      %broadcast_in_dim3A_134 = vector.broadcast %broadcast_in_dim3A_133 : i32 to vector<16xi32>
      %gather3A_135 = tpu.vector_load_idx %arg13[%add3A_35, %broadcast_in_dim3A_134] : memref<512x64xf32, #tpu.memory_space<vmem>>[vector<16xi32>, vector<16xi32>], vector<16xf32>,
      %gather3A_136 = tpu.vector_load_idx %arg14[%add3A_35, %broadcast_in_dim3A_134] : memref<512x64xf32, #tpu.memory_space<vmem>>[vector<16xi32>, vector<16xi32>], vector<16xf32>,
      %mul3A_137 = arith.mulf %gather3A_135, %gather3A_136 : vector<16xf32>
      %add3A_138 = arith.addf %add3A_132, %mul3A_137 : vector<16xf32>
      %broadcast_in_dim3A_139 = arith.constant 17 : i32
      %broadcast_in_dim3A_140 = vector.broadcast %broadcast_in_dim3A_139 : i32 to vector<16xi32>
      %gather3A_141 = tpu.vector_load_idx %arg13[%add3A_35, %broadcast_in_dim3A_140] : memref<512x64xf32, #tpu.memory_space<vmem>>[vector<16xi32>, vector<16xi32>], vector<16xf32>,
      %gather3A_142 = tpu.vector_load_idx %arg14[%add3A_35, %broadcast_in_dim3A_140] : memref<512x64xf32, #tpu.memory_space<vmem>>[vector<16xi32>, vector<16xi32>], vector<16xf32>,
      %mul3A_143 = arith.mulf %gather3A_141, %gather3A_142 : vector<16xf32>
      %add3A_144 = arith.addf %add3A_138, %mul3A_143 : vector<16xf32>
      %broadcast_in_dim3A_145 = arith.constant 18 : i32
      %broadcast_in_dim3A_146 = vector.broadcast %broadcast_in_dim3A_145 : i32 to vector<16xi32>
      %gather3A_147 = tpu.vector_load_idx %arg13[%add3A_35, %broadcast_in_dim3A_146] : memref<512x64xf32, #tpu.memory_space<vmem>>[vector<16xi32>, vector<16xi32>], vector<16xf32>,
      %gather3A_148 = tpu.vector_load_idx %arg14[%add3A_35, %broadcast_in_dim3A_146] : memref<512x64xf32, #tpu.memory_space<vmem>>[vector<16xi32>, vector<16xi32>], vector<16xf32>,
      %mul3A_149 = arith.mulf %gather3A_147, %gather3A_148 : vector<16xf32>
      %add3A_150 = arith.addf %add3A_144, %mul3A_149 : vector<16xf32>
      %broadcast_in_dim3A_151 = arith.constant 19 : i32
      %broadcast_in_dim3A_152 = vector.broadcast %broadcast_in_dim3A_151 : i32 to vector<16xi32>
      %gather3A_153 = tpu.vector_load_idx %arg13[%add3A_35, %broadcast_in_dim3A_152] : memref<512x64xf32, #tpu.memory_space<vmem>>[vector<16xi32>, vector<16xi32>], vector<16xf32>,
      %gather3A_154 = tpu.vector_load_idx %arg14[%add3A_35, %broadcast_in_dim3A_152] : memref<512x64xf32, #tpu.memory_space<vmem>>[vector<16xi32>, vector<16xi32>], vector<16xf32>,
      %mul3A_155 = arith.mulf %gather3A_153, %gather3A_154 : vector<16xf32>
      %add3A_156 = arith.addf %add3A_150, %mul3A_155 : vector<16xf32>
      %broadcast_in_dim3A_157 = arith.constant 20 : i32
      %broadcast_in_dim3A_158 = vector.broadcast %broadcast_in_dim3A_157 : i32 to vector<16xi32>
      %gather3A_159 = tpu.vector_load_idx %arg13[%add3A_35, %broadcast_in_dim3A_158] : memref<512x64xf32, #tpu.memory_space<vmem>>[vector<16xi32>, vector<16xi32>], vector<16xf32>,
      %gather3A_160 = tpu.vector_load_idx %arg14[%add3A_35, %broadcast_in_dim3A_158] : memref<512x64xf32, #tpu.memory_space<vmem>>[vector<16xi32>, vector<16xi32>], vector<16xf32>,
      %mul3A_161 = arith.mulf %gather3A_159, %gather3A_160 : vector<16xf32>
      %add3A_162 = arith.addf %add3A_156, %mul3A_161 : vector<16xf32>
      %broadcast_in_dim3A_163 = arith.constant 21 : i32
      %broadcast_in_dim3A_164 = vector.broadcast %broadcast_in_dim3A_163 : i32 to vector<16xi32>
      %gather3A_165 = tpu.vector_load_idx %arg13[%add3A_35, %broadcast_in_dim3A_164] : memref<512x64xf32, #tpu.memory_space<vmem>>[vector<16xi32>, vector<16xi32>], vector<16xf32>,
      %gather3A_166 = tpu.vector_load_idx %arg14[%add3A_35, %broadcast_in_dim3A_164] : memref<512x64xf32, #tpu.memory_space<vmem>>[vector<16xi32>, vector<16xi32>], vector<16xf32>,
      %mul3A_167 = arith.mulf %gather3A_165, %gather3A_166 : vector<16xf32>
      %add3A_168 = arith.addf %add3A_162, %mul3A_167 : vector<16xf32>
      %broadcast_in_dim3A_169 = arith.constant 22 : i32
      %broadcast_in_dim3A_170 = vector.broadcast %broadcast_in_dim3A_169 : i32 to vector<16xi32>
      %gather3A_171 = tpu.vector_load_idx %arg13[%add3A_35, %broadcast_in_dim3A_170] : memref<512x64xf32, #tpu.memory_space<vmem>>[vector<16xi32>, vector<16xi32>], vector<16xf32>,
      %gather3A_172 = tpu.vector_load_idx %arg14[%add3A_35, %broadcast_in_dim3A_170] : memref<512x64xf32, #tpu.memory_space<vmem>>[vector<16xi32>, vector<16xi32>], vector<16xf32>,
      %mul3A_173 = arith.mulf %gather3A_171, %gather3A_172 : vector<16xf32>
      %add3A_174 = arith.addf %add3A_168, %mul3A_173 : vector<16xf32>
      %broadcast_in_dim3A_175 = arith.constant 23 : i32
      %broadcast_in_dim3A_176 = vector.broadcast %broadcast_in_dim3A_175 : i32 to vector<16xi32>
      %gather3A_177 = tpu.vector_load_idx %arg13[%add3A_35, %broadcast_in_dim3A_176] : memref<512x64xf32, #tpu.memory_space<vmem>>[vector<16xi32>, vector<16xi32>], vector<16xf32>,
      %gather3A_178 = tpu.vector_load_idx %arg14[%add3A_35, %broadcast_in_dim3A_176] : memref<512x64xf32, #tpu.memory_space<vmem>>[vector<16xi32>, vector<16xi32>], vector<16xf32>,
      %mul3A_179 = arith.mulf %gather3A_177, %gather3A_178 : vector<16xf32>
      %add3A_180 = arith.addf %add3A_174, %mul3A_179 : vector<16xf32>
      %broadcast_in_dim3A_181 = arith.constant 24 : i32
      %broadcast_in_dim3A_182 = vector.broadcast %broadcast_in_dim3A_181 : i32 to vector<16xi32>
      %gather3A_183 = tpu.vector_load_idx %arg13[%add3A_35, %broadcast_in_dim3A_182] : memref<512x64xf32, #tpu.memory_space<vmem>>[vector<16xi32>, vector<16xi32>], vector<16xf32>,
      %gather3A_184 = tpu.vector_load_idx %arg14[%add3A_35, %broadcast_in_dim3A_182] : memref<512x64xf32, #tpu.memory_space<vmem>>[vector<16xi32>, vector<16xi32>], vector<16xf32>,
      %mul3A_185 = arith.mulf %gather3A_183, %gather3A_184 : vector<16xf32>
      %add3A_186 = arith.addf %add3A_180, %mul3A_185 : vector<16xf32>
      %broadcast_in_dim3A_187 = arith.constant 25 : i32
      %broadcast_in_dim3A_188 = vector.broadcast %broadcast_in_dim3A_187 : i32 to vector<16xi32>
      %gather3A_189 = tpu.vector_load_idx %arg13[%add3A_35, %broadcast_in_dim3A_188] : memref<512x64xf32, #tpu.memory_space<vmem>>[vector<16xi32>, vector<16xi32>], vector<16xf32>,
      %gather3A_190 = tpu.vector_load_idx %arg14[%add3A_35, %broadcast_in_dim3A_188] : memref<512x64xf32, #tpu.memory_space<vmem>>[vector<16xi32>, vector<16xi32>], vector<16xf32>,
      %mul3A_191 = arith.mulf %gather3A_189, %gather3A_190 : vector<16xf32>
      %add3A_192 = arith.addf %add3A_186, %mul3A_191 : vector<16xf32>
      %broadcast_in_dim3A_193 = arith.constant 26 : i32
      %broadcast_in_dim3A_194 = vector.broadcast %broadcast_in_dim3A_193 : i32 to vector<16xi32>
      %gather3A_195 = tpu.vector_load_idx %arg13[%add3A_35, %broadcast_in_dim3A_194] : memref<512x64xf32, #tpu.memory_space<vmem>>[vector<16xi32>, vector<16xi32>], vector<16xf32>,
      %gather3A_196 = tpu.vector_load_idx %arg14[%add3A_35, %broadcast_in_dim3A_194] : memref<512x64xf32, #tpu.memory_space<vmem>>[vector<16xi32>, vector<16xi32>], vector<16xf32>,
      %mul3A_197 = arith.mulf %gather3A_195, %gather3A_196 : vector<16xf32>
      %add3A_198 = arith.addf %add3A_192, %mul3A_197 : vector<16xf32>
      %broadcast_in_dim3A_199 = arith.constant 27 : i32
      %broadcast_in_dim3A_200 = vector.broadcast %broadcast_in_dim3A_199 : i32 to vector<16xi32>
      %gather3A_201 = tpu.vector_load_idx %arg13[%add3A_35, %broadcast_in_dim3A_200] : memref<512x64xf32, #tpu.memory_space<vmem>>[vector<16xi32>, vector<16xi32>], vector<16xf32>,
      %gather3A_202 = tpu.vector_load_idx %arg14[%add3A_35, %broadcast_in_dim3A_200] : memref<512x64xf32, #tpu.memory_space<vmem>>[vector<16xi32>, vector<16xi32>], vector<16xf32>,
      %mul3A_203 = arith.mulf %gather3A_201, %gather3A_202 : vector<16xf32>
      %add3A_204 = arith.addf %add3A_198, %mul3A_203 : vector<16xf32>
      %broadcast_in_dim3A_205 = arith.constant 28 : i32
      %broadcast_in_dim3A_206 = vector.broadcast %broadcast_in_dim3A_205 : i32 to vector<16xi32>
      %gather3A_207 = tpu.vector_load_idx %arg13[%add3A_35, %broadcast_in_dim3A_206] : memref<512x64xf32, #tpu.memory_space<vmem>>[vector<16xi32>, vector<16xi32>], vector<16xf32>,
      %gather3A_208 = tpu.vector_load_idx %arg14[%add3A_35, %broadcast_in_dim3A_206] : memref<512x64xf32, #tpu.memory_space<vmem>>[vector<16xi32>, vector<16xi32>], vector<16xf32>,
      %mul3A_209 = arith.mulf %gather3A_207, %gather3A_208 : vector<16xf32>
      %add3A_210 = arith.addf %add3A_204, %mul3A_209 : vector<16xf32>
      %broadcast_in_dim3A_211 = arith.constant 29 : i32
      %broadcast_in_dim3A_212 = vector.broadcast %broadcast_in_dim3A_211 : i32 to vector<16xi32>
      %gather3A_213 = tpu.vector_load_idx %arg13[%add3A_35, %broadcast_in_dim3A_212] : memref<512x64xf32, #tpu.memory_space<vmem>>[vector<16xi32>, vector<16xi32>], vector<16xf32>,
      %gather3A_214 = tpu.vector_load_idx %arg14[%add3A_35, %broadcast_in_dim3A_212] : memref<512x64xf32, #tpu.memory_space<vmem>>[vector<16xi32>, vector<16xi32>], vector<16xf32>,
      %mul3A_215 = arith.mulf %gather3A_213, %gather3A_214 : vector<16xf32>
      %add3A_216 = arith.addf %add3A_210, %mul3A_215 : vector<16xf32>
      %broadcast_in_dim3A_217 = arith.constant 30 : i32
      %broadcast_in_dim3A_218 = vector.broadcast %broadcast_in_dim3A_217 : i32 to vector<16xi32>
      %gather3A_219 = tpu.vector_load_idx %arg13[%add3A_35, %broadcast_in_dim3A_218] : memref<512x64xf32, #tpu.memory_space<vmem>>[vector<16xi32>, vector<16xi32>], vector<16xf32>,
      %gather3A_220 = tpu.vector_load_idx %arg14[%add3A_35, %broadcast_in_dim3A_218] : memref<512x64xf32, #tpu.memory_space<vmem>>[vector<16xi32>, vector<16xi32>], vector<16xf32>,
      %mul3A_221 = arith.mulf %gather3A_219, %gather3A_220 : vector<16xf32>
      %add3A_222 = arith.addf %add3A_216, %mul3A_221 : vector<16xf32>
      %broadcast_in_dim3A_223 = arith.constant 31 : i32
      %broadcast_in_dim3A_224 = vector.broadcast %broadcast_in_dim3A_223 : i32 to vector<16xi32>
      %gather3A_225 = tpu.vector_load_idx %arg13[%add3A_35, %broadcast_in_dim3A_224] : memref<512x64xf32, #tpu.memory_space<vmem>>[vector<16xi32>, vector<16xi32>], vector<16xf32>,
      %gather3A_226 = tpu.vector_load_idx %arg14[%add3A_35, %broadcast_in_dim3A_224] : memref<512x64xf32, #tpu.memory_space<vmem>>[vector<16xi32>, vector<16xi32>], vector<16xf32>,
      %mul3A_227 = arith.mulf %gather3A_225, %gather3A_226 : vector<16xf32>
      %add3A_228 = arith.addf %add3A_222, %mul3A_227 : vector<16xf32>
      %broadcast_in_dim3A_229 = arith.constant 32 : i32
      %broadcast_in_dim3A_230 = vector.broadcast %broadcast_in_dim3A_229 : i32 to vector<16xi32>
      %gather3A_231 = tpu.vector_load_idx %arg13[%add3A_35, %broadcast_in_dim3A_230] : memref<512x64xf32, #tpu.memory_space<vmem>>[vector<16xi32>, vector<16xi32>], vector<16xf32>,
      %gather3A_232 = tpu.vector_load_idx %arg14[%add3A_35, %broadcast_in_dim3A_230] : memref<512x64xf32, #tpu.memory_space<vmem>>[vector<16xi32>, vector<16xi32>], vector<16xf32>,
      %mul3A_233 = arith.mulf %gather3A_231, %gather3A_232 : vector<16xf32>
      %add3A_234 = arith.addf %add3A_228, %mul3A_233 : vector<16xf32>
      %broadcast_in_dim3A_235 = arith.constant 33 : i32
      %broadcast_in_dim3A_236 = vector.broadcast %broadcast_in_dim3A_235 : i32 to vector<16xi32>
      %gather3A_237 = tpu.vector_load_idx %arg13[%add3A_35, %broadcast_in_dim3A_236] : memref<512x64xf32, #tpu.memory_space<vmem>>[vector<16xi32>, vector<16xi32>], vector<16xf32>,
      %gather3A_238 = tpu.vector_load_idx %arg14[%add3A_35, %broadcast_in_dim3A_236] : memref<512x64xf32, #tpu.memory_space<vmem>>[vector<16xi32>, vector<16xi32>], vector<16xf32>,
      %mul3A_239 = arith.mulf %gather3A_237, %gather3A_238 : vector<16xf32>
      %add3A_240 = arith.addf %add3A_234, %mul3A_239 : vector<16xf32>
      %broadcast_in_dim3A_241 = arith.constant 34 : i32
      %broadcast_in_dim3A_242 = vector.broadcast %broadcast_in_dim3A_241 : i32 to vector<16xi32>
      %gather3A_243 = tpu.vector_load_idx %arg13[%add3A_35, %broadcast_in_dim3A_242] : memref<512x64xf32, #tpu.memory_space<vmem>>[vector<16xi32>, vector<16xi32>], vector<16xf32>,
      %gather3A_244 = tpu.vector_load_idx %arg14[%add3A_35, %broadcast_in_dim3A_242] : memref<512x64xf32, #tpu.memory_space<vmem>>[vector<16xi32>, vector<16xi32>], vector<16xf32>,
      %mul3A_245 = arith.mulf %gather3A_243, %gather3A_244 : vector<16xf32>
      %add3A_246 = arith.addf %add3A_240, %mul3A_245 : vector<16xf32>
      %broadcast_in_dim3A_247 = arith.constant 35 : i32
      %broadcast_in_dim3A_248 = vector.broadcast %broadcast_in_dim3A_247 : i32 to vector<16xi32>
      %gather3A_249 = tpu.vector_load_idx %arg13[%add3A_35, %broadcast_in_dim3A_248] : memref<512x64xf32, #tpu.memory_space<vmem>>[vector<16xi32>, vector<16xi32>], vector<16xf32>,
      %gather3A_250 = tpu.vector_load_idx %arg14[%add3A_35, %broadcast_in_dim3A_248] : memref<512x64xf32, #tpu.memory_space<vmem>>[vector<16xi32>, vector<16xi32>], vector<16xf32>,
      %mul3A_251 = arith.mulf %gather3A_249, %gather3A_250 : vector<16xf32>
      %add3A_252 = arith.addf %add3A_246, %mul3A_251 : vector<16xf32>
      %broadcast_in_dim3A_253 = arith.constant 36 : i32
      %broadcast_in_dim3A_254 = vector.broadcast %broadcast_in_dim3A_253 : i32 to vector<16xi32>
      %gather3A_255 = tpu.vector_load_idx %arg13[%add3A_35, %broadcast_in_dim3A_254] : memref<512x64xf32, #tpu.memory_space<vmem>>[vector<16xi32>, vector<16xi32>], vector<16xf32>,
      %gather3A_256 = tpu.vector_load_idx %arg14[%add3A_35, %broadcast_in_dim3A_254] : memref<512x64xf32, #tpu.memory_space<vmem>>[vector<16xi32>, vector<16xi32>], vector<16xf32>,
      %mul3A_257 = arith.mulf %gather3A_255, %gather3A_256 : vector<16xf32>
      %add3A_258 = arith.addf %add3A_252, %mul3A_257 : vector<16xf32>
      %broadcast_in_dim3A_259 = arith.constant 37 : i32
      %broadcast_in_dim3A_260 = vector.broadcast %broadcast_in_dim3A_259 : i32 to vector<16xi32>
      %gather3A_261 = tpu.vector_load_idx %arg13[%add3A_35, %broadcast_in_dim3A_260] : memref<512x64xf32, #tpu.memory_space<vmem>>[vector<16xi32>, vector<16xi32>], vector<16xf32>,
      %gather3A_262 = tpu.vector_load_idx %arg14[%add3A_35, %broadcast_in_dim3A_260] : memref<512x64xf32, #tpu.memory_space<vmem>>[vector<16xi32>, vector<16xi32>], vector<16xf32>,
      %mul3A_263 = arith.mulf %gather3A_261, %gather3A_262 : vector<16xf32>
      %add3A_264 = arith.addf %add3A_258, %mul3A_263 : vector<16xf32>
      %broadcast_in_dim3A_265 = arith.constant 38 : i32
      %broadcast_in_dim3A_266 = vector.broadcast %broadcast_in_dim3A_265 : i32 to vector<16xi32>
      %gather3A_267 = tpu.vector_load_idx %arg13[%add3A_35, %broadcast_in_dim3A_266] : memref<512x64xf32, #tpu.memory_space<vmem>>[vector<16xi32>, vector<16xi32>], vector<16xf32>,
      %gather3A_268 = tpu.vector_load_idx %arg14[%add3A_35, %broadcast_in_dim3A_266] : memref<512x64xf32, #tpu.memory_space<vmem>>[vector<16xi32>, vector<16xi32>], vector<16xf32>,
      %mul3A_269 = arith.mulf %gather3A_267, %gather3A_268 : vector<16xf32>
      %add3A_270 = arith.addf %add3A_264, %mul3A_269 : vector<16xf32>
      %broadcast_in_dim3A_271 = arith.constant 39 : i32
      %broadcast_in_dim3A_272 = vector.broadcast %broadcast_in_dim3A_271 : i32 to vector<16xi32>
      %gather3A_273 = tpu.vector_load_idx %arg13[%add3A_35, %broadcast_in_dim3A_272] : memref<512x64xf32, #tpu.memory_space<vmem>>[vector<16xi32>, vector<16xi32>], vector<16xf32>,
      %gather3A_274 = tpu.vector_load_idx %arg14[%add3A_35, %broadcast_in_dim3A_272] : memref<512x64xf32, #tpu.memory_space<vmem>>[vector<16xi32>, vector<16xi32>], vector<16xf32>,
      %mul3A_275 = arith.mulf %gather3A_273, %gather3A_274 : vector<16xf32>
      %add3A_276 = arith.addf %add3A_270, %mul3A_275 : vector<16xf32>
      %broadcast_in_dim3A_277 = arith.constant 40 : i32
      %broadcast_in_dim3A_278 = vector.broadcast %broadcast_in_dim3A_277 : i32 to vector<16xi32>
      %gather3A_279 = tpu.vector_load_idx %arg13[%add3A_35, %broadcast_in_dim3A_278] : memref<512x64xf32, #tpu.memory_space<vmem>>[vector<16xi32>, vector<16xi32>], vector<16xf32>,
      %gather3A_280 = tpu.vector_load_idx %arg14[%add3A_35, %broadcast_in_dim3A_278] : memref<512x64xf32, #tpu.memory_space<vmem>>[vector<16xi32>, vector<16xi32>], vector<16xf32>,
      %mul3A_281 = arith.mulf %gather3A_279, %gather3A_280 : vector<16xf32>
      %add3A_282 = arith.addf %add3A_276, %mul3A_281 : vector<16xf32>
      %broadcast_in_dim3A_283 = arith.constant 41 : i32
      %broadcast_in_dim3A_284 = vector.broadcast %broadcast_in_dim3A_283 : i32 to vector<16xi32>
      %gather3A_285 = tpu.vector_load_idx %arg13[%add3A_35, %broadcast_in_dim3A_284] : memref<512x64xf32, #tpu.memory_space<vmem>>[vector<16xi32>, vector<16xi32>], vector<16xf32>,
      %gather3A_286 = tpu.vector_load_idx %arg14[%add3A_35, %broadcast_in_dim3A_284] : memref<512x64xf32, #tpu.memory_space<vmem>>[vector<16xi32>, vector<16xi32>], vector<16xf32>,
      %mul3A_287 = arith.mulf %gather3A_285, %gather3A_286 : vector<16xf32>
      %add3A_288 = arith.addf %add3A_282, %mul3A_287 : vector<16xf32>
      %broadcast_in_dim3A_289 = arith.constant 42 : i32
      %broadcast_in_dim3A_290 = vector.broadcast %broadcast_in_dim3A_289 : i32 to vector<16xi32>
      %gather3A_291 = tpu.vector_load_idx %arg13[%add3A_35, %broadcast_in_dim3A_290] : memref<512x64xf32, #tpu.memory_space<vmem>>[vector<16xi32>, vector<16xi32>], vector<16xf32>,
      %gather3A_292 = tpu.vector_load_idx %arg14[%add3A_35, %broadcast_in_dim3A_290] : memref<512x64xf32, #tpu.memory_space<vmem>>[vector<16xi32>, vector<16xi32>], vector<16xf32>,
      %mul3A_293 = arith.mulf %gather3A_291, %gather3A_292 : vector<16xf32>
      %add3A_294 = arith.addf %add3A_288, %mul3A_293 : vector<16xf32>
      %broadcast_in_dim3A_295 = arith.constant 43 : i32
      %broadcast_in_dim3A_296 = vector.broadcast %broadcast_in_dim3A_295 : i32 to vector<16xi32>
      %gather3A_297 = tpu.vector_load_idx %arg13[%add3A_35, %broadcast_in_dim3A_296] : memref<512x64xf32, #tpu.memory_space<vmem>>[vector<16xi32>, vector<16xi32>], vector<16xf32>,
      %gather3A_298 = tpu.vector_load_idx %arg14[%add3A_35, %broadcast_in_dim3A_296] : memref<512x64xf32, #tpu.memory_space<vmem>>[vector<16xi32>, vector<16xi32>], vector<16xf32>,
      %mul3A_299 = arith.mulf %gather3A_297, %gather3A_298 : vector<16xf32>
      %add3A_300 = arith.addf %add3A_294, %mul3A_299 : vector<16xf32>
      %broadcast_in_dim3A_301 = arith.constant 44 : i32
      %broadcast_in_dim3A_302 = vector.broadcast %broadcast_in_dim3A_301 : i32 to vector<16xi32>
      %gather3A_303 = tpu.vector_load_idx %arg13[%add3A_35, %broadcast_in_dim3A_302] : memref<512x64xf32, #tpu.memory_space<vmem>>[vector<16xi32>, vector<16xi32>], vector<16xf32>,
      %gather3A_304 = tpu.vector_load_idx %arg14[%add3A_35, %broadcast_in_dim3A_302] : memref<512x64xf32, #tpu.memory_space<vmem>>[vector<16xi32>, vector<16xi32>], vector<16xf32>,
      %mul3A_305 = arith.mulf %gather3A_303, %gather3A_304 : vector<16xf32>
      %add3A_306 = arith.addf %add3A_300, %mul3A_305 : vector<16xf32>
      %broadcast_in_dim3A_307 = arith.constant 45 : i32
      %broadcast_in_dim3A_308 = vector.broadcast %broadcast_in_dim3A_307 : i32 to vector<16xi32>
      %gather3A_309 = tpu.vector_load_idx %arg13[%add3A_35, %broadcast_in_dim3A_308] : memref<512x64xf32, #tpu.memory_space<vmem>>[vector<16xi32>, vector<16xi32>], vector<16xf32>,
      %gather3A_310 = tpu.vector_load_idx %arg14[%add3A_35, %broadcast_in_dim3A_308] : memref<512x64xf32, #tpu.memory_space<vmem>>[vector<16xi32>, vector<16xi32>], vector<16xf32>,
      %mul3A_311 = arith.mulf %gather3A_309, %gather3A_310 : vector<16xf32>
      %add3A_312 = arith.addf %add3A_306, %mul3A_311 : vector<16xf32>
      %broadcast_in_dim3A_313 = arith.constant 46 : i32
      %broadcast_in_dim3A_314 = vector.broadcast %broadcast_in_dim3A_313 : i32 to vector<16xi32>
      %gather3A_315 = tpu.vector_load_idx %arg13[%add3A_35, %broadcast_in_dim3A_314] : memref<512x64xf32, #tpu.memory_space<vmem>>[vector<16xi32>, vector<16xi32>], vector<16xf32>,
      %gather3A_316 = tpu.vector_load_idx %arg14[%add3A_35, %broadcast_in_dim3A_314] : memref<512x64xf32, #tpu.memory_space<vmem>>[vector<16xi32>, vector<16xi32>], vector<16xf32>,
      %mul3A_317 = arith.mulf %gather3A_315, %gather3A_316 : vector<16xf32>
      %add3A_318 = arith.addf %add3A_312, %mul3A_317 : vector<16xf32>
      %broadcast_in_dim3A_319 = arith.constant 47 : i32
      %broadcast_in_dim3A_320 = vector.broadcast %broadcast_in_dim3A_319 : i32 to vector<16xi32>
      %gather3A_321 = tpu.vector_load_idx %arg13[%add3A_35, %broadcast_in_dim3A_320] : memref<512x64xf32, #tpu.memory_space<vmem>>[vector<16xi32>, vector<16xi32>], vector<16xf32>,
      %gather3A_322 = tpu.vector_load_idx %arg14[%add3A_35, %broadcast_in_dim3A_320] : memref<512x64xf32, #tpu.memory_space<vmem>>[vector<16xi32>, vector<16xi32>], vector<16xf32>,
      %mul3A_323 = arith.mulf %gather3A_321, %gather3A_322 : vector<16xf32>
      %add3A_324 = arith.addf %add3A_318, %mul3A_323 : vector<16xf32>
      %broadcast_in_dim3A_325 = arith.constant 48 : i32
      %broadcast_in_dim3A_326 = vector.broadcast %broadcast_in_dim3A_325 : i32 to vector<16xi32>
      %gather3A_327 = tpu.vector_load_idx %arg13[%add3A_35, %broadcast_in_dim3A_326] : memref<512x64xf32, #tpu.memory_space<vmem>>[vector<16xi32>, vector<16xi32>], vector<16xf32>,
      %gather3A_328 = tpu.vector_load_idx %arg14[%add3A_35, %broadcast_in_dim3A_326] : memref<512x64xf32, #tpu.memory_space<vmem>>[vector<16xi32>, vector<16xi32>], vector<16xf32>,
      %mul3A_329 = arith.mulf %gather3A_327, %gather3A_328 : vector<16xf32>
      %add3A_330 = arith.addf %add3A_324, %mul3A_329 : vector<16xf32>
      %broadcast_in_dim3A_331 = arith.constant 49 : i32
      %broadcast_in_dim3A_332 = vector.broadcast %broadcast_in_dim3A_331 : i32 to vector<16xi32>
      %gather3A_333 = tpu.vector_load_idx %arg13[%add3A_35, %broadcast_in_dim3A_332] : memref<512x64xf32, #tpu.memory_space<vmem>>[vector<16xi32>, vector<16xi32>], vector<16xf32>,
      %gather3A_334 = tpu.vector_load_idx %arg14[%add3A_35, %broadcast_in_dim3A_332] : memref<512x64xf32, #tpu.memory_space<vmem>>[vector<16xi32>, vector<16xi32>], vector<16xf32>,
      %mul3A_335 = arith.mulf %gather3A_333, %gather3A_334 : vector<16xf32>
      %add3A_336 = arith.addf %add3A_330, %mul3A_335 : vector<16xf32>
      %broadcast_in_dim3A_337 = arith.constant 50 : i32
      %broadcast_in_dim3A_338 = vector.broadcast %broadcast_in_dim3A_337 : i32 to vector<16xi32>
      %gather3A_339 = tpu.vector_load_idx %arg13[%add3A_35, %broadcast_in_dim3A_338] : memref<512x64xf32, #tpu.memory_space<vmem>>[vector<16xi32>, vector<16xi32>], vector<16xf32>,
      %gather3A_340 = tpu.vector_load_idx %arg14[%add3A_35, %broadcast_in_dim3A_338] : memref<512x64xf32, #tpu.memory_space<vmem>>[vector<16xi32>, vector<16xi32>], vector<16xf32>,
      %mul3A_341 = arith.mulf %gather3A_339, %gather3A_340 : vector<16xf32>
      %add3A_342 = arith.addf %add3A_336, %mul3A_341 : vector<16xf32>
      %broadcast_in_dim3A_343 = arith.constant 51 : i32
      %broadcast_in_dim3A_344 = vector.broadcast %broadcast_in_dim3A_343 : i32 to vector<16xi32>
      %gather3A_345 = tpu.vector_load_idx %arg13[%add3A_35, %broadcast_in_dim3A_344] : memref<512x64xf32, #tpu.memory_space<vmem>>[vector<16xi32>, vector<16xi32>], vector<16xf32>,
      %gather3A_346 = tpu.vector_load_idx %arg14[%add3A_35, %broadcast_in_dim3A_344] : memref<512x64xf32, #tpu.memory_space<vmem>>[vector<16xi32>, vector<16xi32>], vector<16xf32>,
      %mul3A_347 = arith.mulf %gather3A_345, %gather3A_346 : vector<16xf32>
      %add3A_348 = arith.addf %add3A_342, %mul3A_347 : vector<16xf32>
      %broadcast_in_dim3A_349 = arith.constant 52 : i32
      %broadcast_in_dim3A_350 = vector.broadcast %broadcast_in_dim3A_349 : i32 to vector<16xi32>
      %gather3A_351 = tpu.vector_load_idx %arg13[%add3A_35, %broadcast_in_dim3A_350] : memref<512x64xf32, #tpu.memory_space<vmem>>[vector<16xi32>, vector<16xi32>], vector<16xf32>,
      %gather3A_352 = tpu.vector_load_idx %arg14[%add3A_35, %broadcast_in_dim3A_350] : memref<512x64xf32, #tpu.memory_space<vmem>>[vector<16xi32>, vector<16xi32>], vector<16xf32>,
      %mul3A_353 = arith.mulf %gather3A_351, %gather3A_352 : vector<16xf32>
      %add3A_354 = arith.addf %add3A_348, %mul3A_353 : vector<16xf32>
      %broadcast_in_dim3A_355 = arith.constant 53 : i32
      %broadcast_in_dim3A_356 = vector.broadcast %broadcast_in_dim3A_355 : i32 to vector<16xi32>
      %gather3A_357 = tpu.vector_load_idx %arg13[%add3A_35, %broadcast_in_dim3A_356] : memref<512x64xf32, #tpu.memory_space<vmem>>[vector<16xi32>, vector<16xi32>], vector<16xf32>,
      %gather3A_358 = tpu.vector_load_idx %arg14[%add3A_35, %broadcast_in_dim3A_356] : memref<512x64xf32, #tpu.memory_space<vmem>>[vector<16xi32>, vector<16xi32>], vector<16xf32>,
      %mul3A_359 = arith.mulf %gather3A_357, %gather3A_358 : vector<16xf32>
      %add3A_360 = arith.addf %add3A_354, %mul3A_359 : vector<16xf32>
      %broadcast_in_dim3A_361 = arith.constant 54 : i32
      %broadcast_in_dim3A_362 = vector.broadcast %broadcast_in_dim3A_361 : i32 to vector<16xi32>
      %gather3A_363 = tpu.vector_load_idx %arg13[%add3A_35, %broadcast_in_dim3A_362] : memref<512x64xf32, #tpu.memory_space<vmem>>[vector<16xi32>, vector<16xi32>], vector<16xf32>,
      %gather3A_364 = tpu.vector_load_idx %arg14[%add3A_35, %broadcast_in_dim3A_362] : memref<512x64xf32, #tpu.memory_space<vmem>>[vector<16xi32>, vector<16xi32>], vector<16xf32>,
      %mul3A_365 = arith.mulf %gather3A_363, %gather3A_364 : vector<16xf32>
      %add3A_366 = arith.addf %add3A_360, %mul3A_365 : vector<16xf32>
      %broadcast_in_dim3A_367 = arith.constant 55 : i32
      %broadcast_in_dim3A_368 = vector.broadcast %broadcast_in_dim3A_367 : i32 to vector<16xi32>
      %gather3A_369 = tpu.vector_load_idx %arg13[%add3A_35, %broadcast_in_dim3A_368] : memref<512x64xf32, #tpu.memory_space<vmem>>[vector<16xi32>, vector<16xi32>], vector<16xf32>,
      %gather3A_370 = tpu.vector_load_idx %arg14[%add3A_35, %broadcast_in_dim3A_368] : memref<512x64xf32, #tpu.memory_space<vmem>>[vector<16xi32>, vector<16xi32>], vector<16xf32>,
      %mul3A_371 = arith.mulf %gather3A_369, %gather3A_370 : vector<16xf32>
      %add3A_372 = arith.addf %add3A_366, %mul3A_371 : vector<16xf32>
      %broadcast_in_dim3A_373 = arith.constant 56 : i32
      %broadcast_in_dim3A_374 = vector.broadcast %broadcast_in_dim3A_373 : i32 to vector<16xi32>
      %gather3A_375 = tpu.vector_load_idx %arg13[%add3A_35, %broadcast_in_dim3A_374] : memref<512x64xf32, #tpu.memory_space<vmem>>[vector<16xi32>, vector<16xi32>], vector<16xf32>,
      %gather3A_376 = tpu.vector_load_idx %arg14[%add3A_35, %broadcast_in_dim3A_374] : memref<512x64xf32, #tpu.memory_space<vmem>>[vector<16xi32>, vector<16xi32>], vector<16xf32>,
      %mul3A_377 = arith.mulf %gather3A_375, %gather3A_376 : vector<16xf32>
      %add3A_378 = arith.addf %add3A_372, %mul3A_377 : vector<16xf32>
      %broadcast_in_dim3A_379 = arith.constant 57 : i32
      %broadcast_in_dim3A_380 = vector.broadcast %broadcast_in_dim3A_379 : i32 to vector<16xi32>
      %gather3A_381 = tpu.vector_load_idx %arg13[%add3A_35, %broadcast_in_dim3A_380] : memref<512x64xf32, #tpu.memory_space<vmem>>[vector<16xi32>, vector<16xi32>], vector<16xf32>,
      %gather3A_382 = tpu.vector_load_idx %arg14[%add3A_35, %broadcast_in_dim3A_380] : memref<512x64xf32, #tpu.memory_space<vmem>>[vector<16xi32>, vector<16xi32>], vector<16xf32>,
      %mul3A_383 = arith.mulf %gather3A_381, %gather3A_382 : vector<16xf32>
      %add3A_384 = arith.addf %add3A_378, %mul3A_383 : vector<16xf32>
      %broadcast_in_dim3A_385 = arith.constant 58 : i32
      %broadcast_in_dim3A_386 = vector.broadcast %broadcast_in_dim3A_385 : i32 to vector<16xi32>
      %gather3A_387 = tpu.vector_load_idx %arg13[%add3A_35, %broadcast_in_dim3A_386] : memref<512x64xf32, #tpu.memory_space<vmem>>[vector<16xi32>, vector<16xi32>], vector<16xf32>,
      %gather3A_388 = tpu.vector_load_idx %arg14[%add3A_35, %broadcast_in_dim3A_386] : memref<512x64xf32, #tpu.memory_space<vmem>>[vector<16xi32>, vector<16xi32>], vector<16xf32>,
      %mul3A_389 = arith.mulf %gather3A_387, %gather3A_388 : vector<16xf32>
      %add3A_390 = arith.addf %add3A_384, %mul3A_389 : vector<16xf32>
      %broadcast_in_dim3A_391 = arith.constant 59 : i32
      %broadcast_in_dim3A_392 = vector.broadcast %broadcast_in_dim3A_391 : i32 to vector<16xi32>
      %gather3A_393 = tpu.vector_load_idx %arg13[%add3A_35, %broadcast_in_dim3A_392] : memref<512x64xf32, #tpu.memory_space<vmem>>[vector<16xi32>, vector<16xi32>], vector<16xf32>,
      %gather3A_394 = tpu.vector_load_idx %arg14[%add3A_35, %broadcast_in_dim3A_392] : memref<512x64xf32, #tpu.memory_space<vmem>>[vector<16xi32>, vector<16xi32>], vector<16xf32>,
      %mul3A_395 = arith.mulf %gather3A_393, %gather3A_394 : vector<16xf32>
      %add3A_396 = arith.addf %add3A_390, %mul3A_395 : vector<16xf32>
      %broadcast_in_dim3A_397 = arith.constant 60 : i32
      %broadcast_in_dim3A_398 = vector.broadcast %broadcast_in_dim3A_397 : i32 to vector<16xi32>
      %gather3A_399 = tpu.vector_load_idx %arg13[%add3A_35, %broadcast_in_dim3A_398] : memref<512x64xf32, #tpu.memory_space<vmem>>[vector<16xi32>, vector<16xi32>], vector<16xf32>,
      %gather3A_400 = tpu.vector_load_idx %arg14[%add3A_35, %broadcast_in_dim3A_398] : memref<512x64xf32, #tpu.memory_space<vmem>>[vector<16xi32>, vector<16xi32>], vector<16xf32>,
      %mul3A_401 = arith.mulf %gather3A_399, %gather3A_400 : vector<16xf32>
      %add3A_402 = arith.addf %add3A_396, %mul3A_401 : vector<16xf32>
      %broadcast_in_dim3A_403 = arith.constant 61 : i32
      %broadcast_in_dim3A_404 = vector.broadcast %broadcast_in_dim3A_403 : i32 to vector<16xi32>
      %gather3A_405 = tpu.vector_load_idx %arg13[%add3A_35, %broadcast_in_dim3A_404] : memref<512x64xf32, #tpu.memory_space<vmem>>[vector<16xi32>, vector<16xi32>], vector<16xf32>,
      %gather3A_406 = tpu.vector_load_idx %arg14[%add3A_35, %broadcast_in_dim3A_404] : memref<512x64xf32, #tpu.memory_space<vmem>>[vector<16xi32>, vector<16xi32>], vector<16xf32>,
      %mul3A_407 = arith.mulf %gather3A_405, %gather3A_406 : vector<16xf32>
      %add3A_408 = arith.addf %add3A_402, %mul3A_407 : vector<16xf32>
      %broadcast_in_dim3A_409 = arith.constant 62 : i32
      %broadcast_in_dim3A_410 = vector.broadcast %broadcast_in_dim3A_409 : i32 to vector<16xi32>
      %gather3A_411 = tpu.vector_load_idx %arg13[%add3A_35, %broadcast_in_dim3A_410] : memref<512x64xf32, #tpu.memory_space<vmem>>[vector<16xi32>, vector<16xi32>], vector<16xf32>,
      %gather3A_412 = tpu.vector_load_idx %arg14[%add3A_35, %broadcast_in_dim3A_410] : memref<512x64xf32, #tpu.memory_space<vmem>>[vector<16xi32>, vector<16xi32>], vector<16xf32>,
      %mul3A_413 = arith.mulf %gather3A_411, %gather3A_412 : vector<16xf32>
      %add3A_414 = arith.addf %add3A_408, %mul3A_413 : vector<16xf32>
      %broadcast_in_dim3A_415 = arith.constant 63 : i32
      %broadcast_in_dim3A_416 = vector.broadcast %broadcast_in_dim3A_415 : i32 to vector<16xi32>
      %gather3A_417 = tpu.vector_load_idx %arg13[%add3A_35, %broadcast_in_dim3A_416] : memref<512x64xf32, #tpu.memory_space<vmem>>[vector<16xi32>, vector<16xi32>], vector<16xf32>,
      %gather3A_418 = tpu.vector_load_idx %arg14[%add3A_35, %broadcast_in_dim3A_416] : memref<512x64xf32, #tpu.memory_space<vmem>>[vector<16xi32>, vector<16xi32>], vector<16xf32>,
      %mul3A_419 = arith.mulf %gather3A_417, %gather3A_418 : vector<16xf32>
      %add3A_420 = arith.addf %add3A_414, %mul3A_419 : vector<16xf32>
      %mul3A_421 = arith.constant 16 : i32
      %mul3A_422 = arith.muli %scan3A_30, %mul3A_421 : i32
      %get3A = arith.index_cast %mul3A_422 : i32 to index
      %get3A_423 = tpu.vector_load %arg15[%get3A] {strides = array<i32>} : memref<512xf32, #tpu.memory_space<vmem>>, vector<16xf32>,
      %mul3A_424 = arith.constant 16 : i32
      %mul3A_425 = arith.muli %scan3A_30, %mul3A_424 : i32
      %get3A_426 = arith.index_cast %mul3A_425 : i32 to index
      %get3A_427 = tpu.vector_load %arg16[%get3A_426] {strides = array<i32>} : memref<512xf32, #tpu.memory_space<vmem>>, vector<16xf32>,
      %mul3A_428 = arith.constant 16 : i32
      %mul3A_429 = arith.muli %scan3A_30, %mul3A_428 : i32
      %get3A_430 = arith.index_cast %mul3A_429 : i32 to index
      %get3A_431 = tpu.vector_load %arg12[%get3A_430] {strides = array<i32>} : memref<512xf32, #tpu.memory_space<vmem>>, vector<16xf32>,
      %add3A_432 = arith.addf %add3A_420, %get3A_423 : vector<16xf32>
      %add3A_433 = arith.addf %add3A_432, %get3A_427 : vector<16xf32>
      %mul3A_434 = arith.mulf %get3A_431, %add3A_433 : vector<16xf32>
      %mul3A_435 = arith.mulf %mul3A_434, %add3A_433 : vector<16xf32>
      %add3A_436 = arith.addf %scan3A_31, %mul3A_435 : vector<16xf32>
      scf.yield %add3A_436 : vector<16xf32>
    }
    %scan3A_26 = arith.constant 32 : i32
    %swap3A = arith.constant 0 : index
    %swap3A_27 = tpu.vector_load %arg17[%swap3A] {strides = array<i32>} : memref<16xf32, #tpu.memory_space<vmem>>, vector<16xf32>,
    tpu.vector_store %arg17[%swap3A], %scan3A_25 {strides = array<i32>} : memref<16xf32, #tpu.memory_space<vmem>>, vector<16xf32>,
    "tpu.region"() ({
      %run_scoped3A = tpu.sem_alloc : memref<!tpu.dma_semaphore, #tpu.memory_space<semaphore_mem>>
      %dma_start3A_30 = arith.constant 0 : i32
      %dma_start3A_31 = tpu.memref_slice %arg19[%arg1, %dma_start3A_30] : memref<16x16xf32, #tpu.memory_space<vmem_shared>> -> memref<1x16xf32, #tpu.memory_space<vmem_shared>>
      %dma_start3A_32 = tpu.memref_squeeze %dma_start3A_31 : memref<1x16xf32, #tpu.memory_space<vmem_shared>> -> memref<16xf32, #tpu.memory_space<vmem_shared>>
      %dma_start3A_33 = arith.constant 0 : i32
      %dma_start3A_34 = tpu.memref_slice %arg19[%arg1, %dma_start3A_33] : memref<16x16xf32, #tpu.memory_space<vmem_shared>> -> memref<1x16xf32, #tpu.memory_space<vmem_shared>>
      %dma_start3A_35 = tpu.memref_squeeze %dma_start3A_34 : memref<1x16xf32, #tpu.memory_space<vmem_shared>> -> memref<16xf32, #tpu.memory_space<vmem_shared>>
      tpu.enqueue_dma source(%arg17 : memref<16xf32, #tpu.memory_space<vmem>>) target(%dma_start3A_35 : memref<16xf32, #tpu.memory_space<vmem_shared>>) target_semaphore(%run_scoped3A : memref<!tpu.dma_semaphore, #tpu.memory_space<semaphore_mem>>)
      %dma_wait3A_36 = arith.constant 0 : i32
      %dma_wait3A_37 = tpu.memref_slice %arg19[%arg1, %dma_wait3A_36] : memref<16x16xf32, #tpu.memory_space<vmem_shared>> -> memref<1x16xf32, #tpu.memory_space<vmem_shared>>
      %dma_wait3A_38 = tpu.memref_squeeze %dma_wait3A_37 : memref<1x16xf32, #tpu.memory_space<vmem_shared>> -> memref<16xf32, #tpu.memory_space<vmem_shared>>
      %dma_wait3A_39 = arith.constant 0 : i32
      %dma_wait3A_40 = tpu.memref_slice %arg19[%arg1, %dma_wait3A_39] : memref<16x16xf32, #tpu.memory_space<vmem_shared>> -> memref<1x16xf32, #tpu.memory_space<vmem_shared>>
      %dma_wait3A_41 = tpu.memref_squeeze %dma_wait3A_40 : memref<1x16xf32, #tpu.memory_space<vmem_shared>> -> memref<16xf32, #tpu.memory_space<vmem_shared>>
      tpu.wait_dma2 semaphore(%run_scoped3A : memref<!tpu.dma_semaphore, #tpu.memory_space<semaphore_mem>>) src(%arg17 : memref<16xf32, #tpu.memory_space<vmem>>) dst(%dma_wait3A_41 : memref<16xf32, #tpu.memory_space<vmem_shared>>)
      tpu.yield
    }) : () -> ()
    %barrier3A = arith.constant 0 : index
    tpu.barrier barrier_id(%barrier3A)
    %eq3A = arith.constant 0 : i32
    %eq3A_28 = arith.cmpi eq, %arg1, %eq3A : i32
    %convert_element_type3A = arith.extui %eq3A_28 : i1 to i32
    %cond3A = arith.constant 0 : i32
    %cond3A_29 = arith.cmpi ne, %convert_element_type3A, %cond3A : i32
    scf.if %cond3A_29 {
      "tpu.region"() ({
        %run_scoped3A = tpu.sem_alloc : memref<!tpu.dma_semaphore, #tpu.memory_space<semaphore_mem>>
        tpu.enqueue_dma source(%arg19 : memref<16x16xf32, #tpu.memory_space<vmem_shared>>) target(%arg18 : memref<16x16xf32, #tpu.memory_space<vmem>>) target_semaphore(%run_scoped3A : memref<!tpu.dma_semaphore, #tpu.memory_space<semaphore_mem>>)
        tpu.wait_dma2 semaphore(%run_scoped3A : memref<!tpu.dma_semaphore, #tpu.memory_space<semaphore_mem>>) src(%arg19 : memref<16x16xf32, #tpu.memory_space<vmem_shared>>) dst(%arg18 : memref<16x16xf32, #tpu.memory_space<vmem>>)
        tpu.yield
      }) : () -> ()
      %broadcast_in_dim3A_30 = arith.constant 0.000000e+00 : f32
      %broadcast_in_dim3A_31 = vector.broadcast %broadcast_in_dim3A_30 : f32 to vector<16xf32>
      %get3A = arith.constant 0 : i32
      %get3A_32 = arith.index_cast %get3A : i32 to index
      %get3A_33 = arith.constant 0 : index
      %get3A_34 = tpu.vector_load %arg18[%get3A_32, %get3A_33] {strides = array<i32>} : memref<16x16xf32, #tpu.memory_space<vmem>>, vector<16xf32>,
      %add3A_35 = arith.addf %broadcast_in_dim3A_31, %get3A_34 : vector<16xf32>
      %get3A_36 = arith.constant 1 : i32
      %get3A_37 = arith.index_cast %get3A_36 : i32 to index
      %get3A_38 = arith.constant 0 : index
      %get3A_39 = tpu.vector_load %arg18[%get3A_37, %get3A_38] {strides = array<i32>} : memref<16x16xf32, #tpu.memory_space<vmem>>, vector<16xf32>,
      %add3A_40 = arith.addf %add3A_35, %get3A_39 : vector<16xf32>
      %get3A_41 = arith.constant 2 : i32
      %get3A_42 = arith.index_cast %get3A_41 : i32 to index
      %get3A_43 = arith.constant 0 : index
      %get3A_44 = tpu.vector_load %arg18[%get3A_42, %get3A_43] {strides = array<i32>} : memref<16x16xf32, #tpu.memory_space<vmem>>, vector<16xf32>,
      %add3A_45 = arith.addf %add3A_40, %get3A_44 : vector<16xf32>
      %get3A_46 = arith.constant 3 : i32
      %get3A_47 = arith.index_cast %get3A_46 : i32 to index
      %get3A_48 = arith.constant 0 : index
      %get3A_49 = tpu.vector_load %arg18[%get3A_47, %get3A_48] {strides = array<i32>} : memref<16x16xf32, #tpu.memory_space<vmem>>, vector<16xf32>,
      %add3A_50 = arith.addf %add3A_45, %get3A_49 : vector<16xf32>
      %get3A_51 = arith.constant 4 : i32
      %get3A_52 = arith.index_cast %get3A_51 : i32 to index
      %get3A_53 = arith.constant 0 : index
      %get3A_54 = tpu.vector_load %arg18[%get3A_52, %get3A_53] {strides = array<i32>} : memref<16x16xf32, #tpu.memory_space<vmem>>, vector<16xf32>,
      %add3A_55 = arith.addf %add3A_50, %get3A_54 : vector<16xf32>
      %get3A_56 = arith.constant 5 : i32
      %get3A_57 = arith.index_cast %get3A_56 : i32 to index
      %get3A_58 = arith.constant 0 : index
      %get3A_59 = tpu.vector_load %arg18[%get3A_57, %get3A_58] {strides = array<i32>} : memref<16x16xf32, #tpu.memory_space<vmem>>, vector<16xf32>,
      %add3A_60 = arith.addf %add3A_55, %get3A_59 : vector<16xf32>
      %get3A_61 = arith.constant 6 : i32
      %get3A_62 = arith.index_cast %get3A_61 : i32 to index
      %get3A_63 = arith.constant 0 : index
      %get3A_64 = tpu.vector_load %arg18[%get3A_62, %get3A_63] {strides = array<i32>} : memref<16x16xf32, #tpu.memory_space<vmem>>, vector<16xf32>,
      %add3A_65 = arith.addf %add3A_60, %get3A_64 : vector<16xf32>
      %get3A_66 = arith.constant 7 : i32
      %get3A_67 = arith.index_cast %get3A_66 : i32 to index
      %get3A_68 = arith.constant 0 : index
      %get3A_69 = tpu.vector_load %arg18[%get3A_67, %get3A_68] {strides = array<i32>} : memref<16x16xf32, #tpu.memory_space<vmem>>, vector<16xf32>,
      %add3A_70 = arith.addf %add3A_65, %get3A_69 : vector<16xf32>
      %get3A_71 = arith.constant 8 : i32
      %get3A_72 = arith.index_cast %get3A_71 : i32 to index
      %get3A_73 = arith.constant 0 : index
      %get3A_74 = tpu.vector_load %arg18[%get3A_72, %get3A_73] {strides = array<i32>} : memref<16x16xf32, #tpu.memory_space<vmem>>, vector<16xf32>,
      %add3A_75 = arith.addf %add3A_70, %get3A_74 : vector<16xf32>
      %get3A_76 = arith.constant 9 : i32
      %get3A_77 = arith.index_cast %get3A_76 : i32 to index
      %get3A_78 = arith.constant 0 : index
      %get3A_79 = tpu.vector_load %arg18[%get3A_77, %get3A_78] {strides = array<i32>} : memref<16x16xf32, #tpu.memory_space<vmem>>, vector<16xf32>,
      %add3A_80 = arith.addf %add3A_75, %get3A_79 : vector<16xf32>
      %get3A_81 = arith.constant 10 : i32
      %get3A_82 = arith.index_cast %get3A_81 : i32 to index
      %get3A_83 = arith.constant 0 : index
      %get3A_84 = tpu.vector_load %arg18[%get3A_82, %get3A_83] {strides = array<i32>} : memref<16x16xf32, #tpu.memory_space<vmem>>, vector<16xf32>,
      %add3A_85 = arith.addf %add3A_80, %get3A_84 : vector<16xf32>
      %get3A_86 = arith.constant 11 : i32
      %get3A_87 = arith.index_cast %get3A_86 : i32 to index
      %get3A_88 = arith.constant 0 : index
      %get3A_89 = tpu.vector_load %arg18[%get3A_87, %get3A_88] {strides = array<i32>} : memref<16x16xf32, #tpu.memory_space<vmem>>, vector<16xf32>,
      %add3A_90 = arith.addf %add3A_85, %get3A_89 : vector<16xf32>
      %get3A_91 = arith.constant 12 : i32
      %get3A_92 = arith.index_cast %get3A_91 : i32 to index
      %get3A_93 = arith.constant 0 : index
      %get3A_94 = tpu.vector_load %arg18[%get3A_92, %get3A_93] {strides = array<i32>} : memref<16x16xf32, #tpu.memory_space<vmem>>, vector<16xf32>,
      %add3A_95 = arith.addf %add3A_90, %get3A_94 : vector<16xf32>
      %get3A_96 = arith.constant 13 : i32
      %get3A_97 = arith.index_cast %get3A_96 : i32 to index
      %get3A_98 = arith.constant 0 : index
      %get3A_99 = tpu.vector_load %arg18[%get3A_97, %get3A_98] {strides = array<i32>} : memref<16x16xf32, #tpu.memory_space<vmem>>, vector<16xf32>,
      %add3A_100 = arith.addf %add3A_95, %get3A_99 : vector<16xf32>
      %get3A_101 = arith.constant 14 : i32
      %get3A_102 = arith.index_cast %get3A_101 : i32 to index
      %get3A_103 = arith.constant 0 : index
      %get3A_104 = tpu.vector_load %arg18[%get3A_102, %get3A_103] {strides = array<i32>} : memref<16x16xf32, #tpu.memory_space<vmem>>, vector<16xf32>,
      %add3A_105 = arith.addf %add3A_100, %get3A_104 : vector<16xf32>
      %get3A_106 = arith.constant 15 : i32
      %get3A_107 = arith.index_cast %get3A_106 : i32 to index
      %get3A_108 = arith.constant 0 : index
      %get3A_109 = tpu.vector_load %arg18[%get3A_107, %get3A_108] {strides = array<i32>} : memref<16x16xf32, #tpu.memory_space<vmem>>, vector<16xf32>,
      %add3A_110 = arith.addf %add3A_105, %get3A_109 : vector<16xf32>
      %reduce_sum3A = arith.constant true
      %reduce_sum3A_111 = vector.broadcast %reduce_sum3A : i1 to vector<16xi1>
      %reduce_sum3A_112 = tpu.scan <sum>, %add3A_110 masked %reduce_sum3A_111 : vector<16xf32>, vector<16xi1> -> vector<16xf32>
      %reduce_sum3A_113 = vector.extract %reduce_sum3A_112[15] : f32 from vector<16xf32>
      %broadcast_in_dim3A_114 = vector.broadcast %reduce_sum3A_113 : f32 to vector<16xf32>
      %swap3A_115 = arith.constant 0 : index
      %swap3A_116 = tpu.vector_load %arg17[%swap3A_115] {strides = array<i32>} : memref<16xf32, #tpu.memory_space<vmem>>, vector<16xf32>,
      tpu.vector_store %arg17[%swap3A_115], %broadcast_in_dim3A_114 {strides = array<i32>} : memref<16xf32, #tpu.memory_space<vmem>>, vector<16xf32>,
      "tpu.region"() ({
        %run_scoped3A = tpu.sem_alloc : memref<!tpu.dma_semaphore, #tpu.memory_space<semaphore_mem>>
        %dma_start3A_117 = arith.constant 0 : i32
        %dma_start3A_118 = tpu.memref_slice %arg9[%arg0, %dma_start3A_117] : memref<2x16xf32, #tpu.memory_space<hbm>> -> memref<1x16xf32, #tpu.memory_space<hbm>>
        %dma_start3A_119 = tpu.memref_squeeze %dma_start3A_118 : memref<1x16xf32, #tpu.memory_space<hbm>> -> memref<16xf32, #tpu.memory_space<hbm>>
        %dma_start3A_120 = arith.constant 0 : i32
        %dma_start3A_121 = tpu.memref_slice %arg9[%arg0, %dma_start3A_120] : memref<2x16xf32, #tpu.memory_space<hbm>> -> memref<1x16xf32, #tpu.memory_space<hbm>>
        %dma_start3A_122 = tpu.memref_squeeze %dma_start3A_121 : memref<1x16xf32, #tpu.memory_space<hbm>> -> memref<16xf32, #tpu.memory_space<hbm>>
        tpu.enqueue_dma source(%arg17 : memref<16xf32, #tpu.memory_space<vmem>>) target(%dma_start3A_122 : memref<16xf32, #tpu.memory_space<hbm>>) target_semaphore(%run_scoped3A : memref<!tpu.dma_semaphore, #tpu.memory_space<semaphore_mem>>)
        %dma_wait3A_123 = arith.constant 0 : i32
        %dma_wait3A_124 = tpu.memref_slice %arg9[%arg0, %dma_wait3A_123] : memref<2x16xf32, #tpu.memory_space<hbm>> -> memref<1x16xf32, #tpu.memory_space<hbm>>
        %dma_wait3A_125 = tpu.memref_squeeze %dma_wait3A_124 : memref<1x16xf32, #tpu.memory_space<hbm>> -> memref<16xf32, #tpu.memory_space<hbm>>
        %dma_wait3A_126 = arith.constant 0 : i32
        %dma_wait3A_127 = tpu.memref_slice %arg9[%arg0, %dma_wait3A_126] : memref<2x16xf32, #tpu.memory_space<hbm>> -> memref<1x16xf32, #tpu.memory_space<hbm>>
        %dma_wait3A_128 = tpu.memref_squeeze %dma_wait3A_127 : memref<1x16xf32, #tpu.memory_space<hbm>> -> memref<16xf32, #tpu.memory_space<hbm>>
        tpu.wait_dma2 semaphore(%run_scoped3A : memref<!tpu.dma_semaphore, #tpu.memory_space<semaphore_mem>>) src(%arg17 : memref<16xf32, #tpu.memory_space<vmem>>) dst(%dma_wait3A_128 : memref<16xf32, #tpu.memory_space<hbm>>)
        tpu.yield
      }) : () -> ()
    } else {
    }
    return
  }
}

</mosaic_0001>

<sc_bundles>
// kernel: kernel.3.cloned.1.call-start
scs
__scs_entry_jumppad:
0x0: {  	(pc) =	sbr.rel $0x88, $3  }
0x1: {  	(tag) =	ssettag $0x0;
	lr =	simm.s32 $0x1  }
0x2: {  	[smem:$0x3F9A] =	sst lr;
	_ =	strace $0xD0000000  }
0x3: {  	_ = 	snop  }
0x4: {  	_ = 	snop  }
0x5: {  	_ = 	snop  }
0x6: {  	_ = 	snop  }
0x7: {  	_ = 	snop  }
__scs_overlays_trampoline_lowered:
0x8: {  	[smem:$0x3FA9] =	sst s0  }
0x9: {  	[smem:$0x3FAA] =	sst s1  }
0xa: {  	[smem:$0x3FAB] =	sst s2  }
0xb: {  	[smem:$0x3FAC] =	sst s3  }
0xc: {  	[smem:$0x3FAD] =	sst s4  }
0xd: {  	[smem:$0x3FAE] =	sst s5  }
0xe: {  	[smem:$0x3FAF] =	sst s6  }
0xf: {  	[smem:$0x3FB0] =	sst s7  }
0x10: {  	[smem:$0x3FB1] =	sst s8  }
0x11: {  	[smem:$0x3FB2] =	sst s9;
	s0 =	simm.s32 @!p0 $0x0  }
0x12: {  	s1 =	sld [smem:$0x3F98];
	s0 =	simm.s32 @p0 $0x1  }
0x13: {  	[smem:$0x3FB3] =	sst s0;
	s0 =	simm.s32 @!p1 $0x0  }
0x14: {  	s2 =	sld [smem:$0x3F97];
	s0 =	simm.s32 @p1 $0x1  }
0x15: {  	[smem:$0x3FB4] =	sst s0;
	s0 =	simm.s32 @!p2 $0x0  }
0x16: {  	s3 =	sld [smem:$0x3FDB];
	s0 =	simm.s32 @p2 $0x1  }
0x17: {  	s4 =	simm.s32 $0x1BF5;
	[smem:$0x3FB6] =	sst s0  }
0x18: {  	s0 =	sld [smem:$0x3F99];
	_ =	swait.ge [sflag:s4], $0x0  }
0x19: {  	s7 =	sld [smem:$0x3F9A]  }
0x1a: {  	s8 =	sadd.s32 $0xFFFFE003, lr  }
0x1b: {  	s9 =	sadd.s32 $0xFFFFFEF7, lr;
	s5 =	simm.s32 $0xFFFFFFFF;
	p2 =	slt.u32 s8, $0xFFFFF086  }
0x1c: {  	p1 =	slt.u32 s9, $0xF7A;
	s5 =	simm.s32 @!p2 $0x0  }
0x1d: {  	s5 =	simm.s32 @p1 $0x1;
	p0 =	seq.s32 s7, s2  }
0x1e: {  	s7 =	smul.u32 @!p0 $0xF7A, s2;
	p2 =	seq.s32 @!p0 s5, $0x0  }
0x1f: {  	s9 =	smul.u32 $0xF7A, s1;
	s8 =	simm.s32 @!p0 $0x1BF5;
	p2 =	por !p2, p0  }
0x20: {  	[sflag:s8] =	ssyncset.s32 @!p0 $0xFFFFF086;
	s6 =	sadd.s32 @!p0 s3, s7;
	s7 =	simm.s32 @!p0 $0x108  }
0x21: {  	s3 =	sadd.s32 s3, s9;
	s6 =	sadd.s32 @!p0 $0x88, s6;
	s7 =	simm.s32 @p2 $0x1082  }
0x22: {  	[simem:s7], [sflag:s8] =	dma.local @!p0 [hbm:s6], $0xF7A  }
0x23: {  	s9 =	sor.u32 $0xD0000000, s2;
	s6 =	simm.s32 $0x108;
	_ =	swait.ge @!p0 [sflag:s8], $0x0  }
0x24: {  	s3 =	sadd.s32 $0x88, s3;
	s6 =	simm.s32 @!p1 $0x1082;
	[sflag:s4] =	ssyncset.s32 $0xFFFFF086  }
0x25: {  	[simem:s6], [sflag:s4] =	dma.local [hbm:s3], $0xF7A  }
0x26: {  	[smem:$0x3F9A] =	sst s1;
	(tag) =	ssettag s2;
	_ =	strace s9  }
0x27: {  	s1 =	sld [smem:$0x3FAA]  }
0x28: {  	s2 =	sld [smem:$0x3FAB]  }
0x29: {  	s4 =	sld [smem:$0x3FAD]  }
0x2a: {  	p0 =	seq.s32 s5, $0x0;
	s5 =	sld [smem:$0x3FAE]  }
0x2b: {  	s6 =	sld [smem:$0x3FAF]  }
0x2c: {  	s7 =	sld [smem:$0x3FB0]  }
0x2d: {  	s3 =	simm.s32 $0x108;
	s8 =	sld [smem:$0x3FB1]  }
0x2e: {  	s3 =	simm.s32 @!p0 $0x1082;
	s9 =	sld [smem:$0x3FB2]  }
0x2f: {  	lr =	sadd.s32 s0, s3;
	s0 =	sld [smem:$0x3FA9]  }
0x30: {  	s3 =	sld [smem:$0x3FAC]  }
0x31: {  	[smem:$0x3FB5] =	sst s10  }
0x32: {  	s10 =	sld [smem:$0x3FB3];
	_ =	sdelay $0x3  }
0x33: {  	p0 =	seq.s32 s10, $0x1;
	s10 =	sld [smem:$0x3FB5];
	_ =	sdelay $0x3  }
0x34: {  	[smem:$0x3FB5] =	sst s10  }
0x35: {  	s10 =	sld [smem:$0x3FB4];
	_ =	sdelay $0x3  }
0x36: {  	p1 =	seq.s32 s10, $0x1;
	s10 =	sld [smem:$0x3FB5];
	_ =	sdelay $0x3  }
0x37: {  	[smem:$0x3FB5] =	sst s10  }
0x38: {  	s10 =	sld [smem:$0x3FB6]  }
0x39: {  	_ = 	snop;
	(pc) =	sbr.ind lr, $3  }
0x3a: {  	_ = 	snop  }
0x3b: {  	_ = 	snop  }
0x3c: {  	p2 =	seq.s32 s10, $0x1;
	s10 =	sld [smem:$0x3FB5]  }
0x3d: {  	_ =	shalt  }
0x3e: {  	_ =	shalt  }
0x3f: {  	_ =	shalt  }
0x40: {  	_ =	shalt  }
0x41: {  	_ =	shalt  }
0x42: {  	_ =	shalt  }
0x43: {  	_ =	shalt  }
0x44: {  	_ =	shalt  }
0x45: {  	_ =	shalt  }
0x46: {  	_ =	shalt  }
0x47: {  	_ =	shalt  }
0x48: {  	_ =	shalt  }
0x49: {  	_ =	shalt  }
0x4a: {  	_ =	shalt  }
0x4b: {  	_ =	shalt  }
0x4c: {  	_ =	shalt  }
0x4d: {  	_ =	shalt  }
0x4e: {  	_ =	shalt  }
0x4f: {  	_ =	shalt  }
0x50: {  	_ =	shalt  }
0x51: {  	_ =	shalt  }
0x52: {  	_ =	shalt  }
0x53: {  	_ =	shalt  }
0x54: {  	_ =	shalt  }
0x55: {  	_ =	shalt  }
0x56: {  	_ =	shalt  }
0x57: {  	_ =	shalt  }
0x58: {  	_ =	shalt  }
0x59: {  	_ =	shalt  }
0x5a: {  	_ =	shalt  }
0x5b: {  	_ =	shalt  }
0x5c: {  	_ =	shalt  }
0x5d: {  	_ =	shalt  }
0x5e: {  	_ =	shalt  }
0x5f: {  	_ =	shalt  }
0x60: {  	_ =	shalt  }
0x61: {  	_ =	shalt  }
0x62: {  	_ =	shalt  }
0x63: {  	_ =	shalt  }
0x64: {  	_ =	shalt  }
0x65: {  	_ =	shalt  }
0x66: {  	_ =	shalt  }
0x67: {  	_ =	shalt  }
0x68: {  	_ =	shalt  }
0x69: {  	_ =	shalt  }
0x6a: {  	_ =	shalt  }
0x6b: {  	_ =	shalt  }
0x6c: {  	_ =	shalt  }
0x6d: {  	_ =	shalt  }
0x6e: {  	_ =	shalt  }
0x6f: {  	_ =	shalt  }
0x70: {  	_ =	shalt  }
0x71: {  	_ =	shalt  }
0x72: {  	_ =	shalt  }
0x73: {  	_ =	shalt  }
0x74: {  	_ =	shalt  }
0x75: {  	_ =	shalt  }
0x76: {  	_ =	shalt  }
0x77: {  	_ =	shalt  }
0x78: {  	_ =	shalt  }
0x79: {  	_ =	shalt  }
0x7a: {  	_ =	shalt  }
0x7b: {  	_ =	shalt  }
0x7c: {  	_ =	shalt  }
0x7d: {  	_ =	shalt  }
0x7e: {  	_ =	shalt  }
0x7f: {  	_ =	shalt  }
0x80: {  	_ =	shalt  }
0x81: {  	_ =	shalt  }
0x82: {  	_ =	shalt  }
0x83: {  	_ =	shalt  }
0x84: {  	_ =	shalt  }
0x85: {  	_ =	shalt  }
0x86: {  	_ =	shalt  }
0x87: {  	_ =	shalt  }
.Lfunc_end0:
.L_simem_size_0:
called_computation_lowered:
.L_overlay_start_0:
0x88: {  	s2 =	sld [smem:$0x3FD9]  }
0x89: {  	s3 =	sld [smem:$0x3FFE];
	_ =	sdelay $0x1  }
0x8a: {  	s1 =	srdreg.scid  }
0x8b: {  	s0 =	sand.u32 $0x1, s1  }
0x8c: {  	s17 =	sshll.u32 s0, $0xA;
	s2 =	sadd.s32 s3, s2  }
0x8d: {  	s2 =	sadd.s32 s2, s17  }
0x8e: {  	[smem:$0x3FC1] =	sst s2  }
0x8f: {  	_ = 	snop  }
0x90: {  	s2 =	sld [smem:$0x3FC9]  }
0x91: {  	s18 =	sld [smem:$0x3FC8]  }
0x92: {  	s4 =	sld [smem:$0x3FC7]  }
0x93: {  	s5 =	sld [smem:$0x3FD0];
	(tm) =	ssettm $0x1  }
0x94: {  	s6 =	sld [smem:$0x3FFB];
	_ =	sdelay $0x3  }
0x95: {  	_ =	strace s6  }
0x96: {  	s6 =	sld [smem:$0x3FFC];
	_ =	sdelay $0x3  }
0x97: {  	_ =	strace s6  }
0x98: {  	s6 =	sld [smem:$0x3FFD];
	_ =	sdelay $0x3  }
0x99: {  	_ =	strace s6  }
0x9a: {  	_ =	strace $0x8FFFFFFF  }
0x9b: {  	s19 =	sld [smem:$0x3FDB];
	_ =	sdelay $0x1  }
0x9c: {  	s7 =	simm.s32 $_scs_section_size  }
0x9d: {  	s8 =	simm.s32 $_size__tile_overlayer_lowered;
	s9 =	simm.s32 $_tile_overlayer_lowered  }
0x9e: {  	s22 =	simm.s32 $0x1BFF;
	s21 =	sshll.u32 s9, $0x1;
	s6 =	sadd.s32 s7, s19  }
0x9f: {  	s10 =	simm.s32 $0x0;
	s20 =	sshll.u32 s8, $0x1;
	s8 =	sadd.s32 s21, s6  }
0xa0: {  	[timem:s10], [sflag:s22] =	dma.local [hbm:s8], s20  }
0xa1: {  	_ =	swait.ge [sflag:s22], s20  }
0xa2: {  	s7 =	ssub.s32 $0x0, s20;
	[sflag:s22] =	ssyncset.done $0x0  }
0xa3: {  	[sflag:s22] =	ssyncadd.s32 s7;
	_ =	sdelay $0x1  }
0xa4: {  	s23 =	simm.s32 $0x1B8B  }
0xa5: {  	_ =	swait.ge [sflag:s23], $0x1  }
0xa6: {  	[sflag:s23] =	ssyncset.done $0x0  }
0xa7: {  	s25 =	simm.s32 $0x1B8E;
	s24 =	sld [smem:$0x3FFE];
	[sflag:s23] =	ssyncadd.s32 $0xFFFFFFFF  }
0xa8: {  	s26 =	simm.s32 $execute0_lowered;
	[smem:$0x3FD2] =	sst s25  }
0xa9: {  	s8 =	sshll.u32 s26, $0x1;
	_ =	strace $0x80000046;
	[dreg:$0x1] =	wrdreg $0xFFFFFFFF  }
0xaa: {  	s28 =	simm.s32 $_size_execute0_lowered;
	s6 =	sadd.s32 s6, s8;
	[dreg:$0x0] =	wrdreg $0x0  }
0xab: {  	s8 =	sshll.u32 s28, $0x1;
	[dreg:$0x2] =	wrdreg s6  }
0xac: {  	[dreg:$0x3] =	wrdreg s8  }
0xad: {  	[dreg:$0x4] =	wrdreg $0xC0  }
0xae: {  	_ =	task [dreg:s10], $0x5FFFF  }
0xaf: {  	[dreg:$0x1] =	wrdreg $0xFFFFFFFF  }
0xb0: {  	[dreg:$0x0] =	wrdreg $0x60  }
0xb1: {  	[dreg:$0x2] =	wrdreg s2  }
0xb2: {  	[dreg:$0x3] =	wrdreg s18  }
0xb3: {  	[dreg:$0x4] =	wrdreg s4  }
0xb4: {  	[dreg:$0x5] =	wrdreg s24  }
0xb5: {  	[dreg:$0x6] =	wrdreg s5  }
0xb6: {  	[dreg:$0x7] =	wrdreg $0x10B100  }
0xb7: {  	[dreg:$0x8] =	wrdreg $0x9  }
0xb8: {  	_ =	task.clear_ibuf [dreg:s10], $0x9FFFF;
	_ =	strace $0x90000046  }
0xb9: {  	s29 =	simm.s32 $0x9;
	_ =	strace $0x80000048  }
0xba: {  	_ =	swait.ge [sflag:s29], $0x1  }
0xbb: {  	[sflag:s29] =	ssyncadd.s32 $0xFFFFFFFF  }
0xbc: {  	_ =	strace $0x90000048  }
0xbd: {  	_ =	sfence  }
0xbe: {  	s30 =	sld [smem:$0x0];
	_ =	sdelay $0x2  }
0xbf: {  	s31 =	sshll.u32 s1, $0xD;
	s1 =	sshrl.u32 s1, $0x2  }
0xc0: {  	s3 =	sand.u32 $0x4000, s31;
	s1 =	sadd.s32 s1, s30  }
0xc1: {  	s0 =	sor.u32 s3, s0;
	s1 =	sshll.u32 s1, $0x11  }
0xc2: {  	s0 =	sor.u32 s1, s0  }
0xc3: {  	s0 =	sadd.s32 $0x8F2B, s0  }
0xc4: {  	[sflag:s0] =	ssyncadd.remote.s32 $0x1  }
0xc5: {  	_ =	sfence.sel $0xFFFF  }
0xc6: {  	[dreg:$0x0] =	wrdreg $0xFFFFFFFF;
	(pc) =	sbr.abs _section_cstart, $3  }
0xc7: {  	[dreg:$0x1] =	wrdreg $0xFFFFFFFF  }
0xc8: {  	_ =	task.clear_ibuf [dreg:s10], $0x2FFFF;
	_ =	strace $0x9FFFFFFF  }
0xc9: {  	(tm) =	ssettm $0x7FFFFFFF  }
tec
execute0_lowered:
.L_overlay_start_1:
0x0: {  	(tag) =	ssettag $0x1  }
0x1: {  	s7 =	rddreg [dreg:$0x0]  }
0x2: {  	s8 =	rddreg [dreg:$0x1]  }
0x3: {  	s9 =	rddreg [dreg:$0x2]  }
0x4: {  	s1 =	rddreg [dreg:$0x3]  }
0x5: {  	s11 =	rddreg [dreg:$0x4]  }
0x6: {  	s2 =	rddreg [dreg:$0x5]  }
0x7: {  	s0 =	rddreg [dreg:$0x6];
	s3 =	simm.s32 $0x0  }
0x8: {  	s5 =	srdreg.scid;
	s21 =	stileid.u32;
	s16 =	simm.s32 $0x8600  }
0x9: {  	s17 =	simm.s32 $0x1;
	s18 =	simm.s32 $0x2;
	s19 =	simm.s32 $0x3  }
0xa: {  	s20 =	simm.s32 $0x4;
	s22 =	simm.s32 $0x0;
	[smem:$0x7FF] =	sst s3  }
0xb: {  	s4 =	sadd.s32 $0x16E3600, s1;
	s10 =	sand.u32 $0x1, s5;
	s6 =	sshll.u32 s21, $0x7  }
0xc: {  	s5 =	sadd.s32 $0xF42400, s1;
	s31 =	sshll.u32 s21, $0x4;
	p0 =	sne.s32 s21, $0x0  }
0xd: {  	s21 =	simm.s32 $0x10A00;
	_ =	strace $0x80000047;
	s12 =	ssub.s32 $0x2, s10  }
0xe: {  	s13 =	sshll.u32 s10, $0x6;
	s15 =	sshll.u32 s10, $0x1;
	s10 =	sadd.s32 s31, s2  }
0xf: {  	s14 =	sshrl.u32 s12, $0x1;
	s13 =	sor.u32 s13, s6;
	s6 =	sadd.s32 $0x1EA00, s1  }
0x10: {  	v0 =	vlaneseq.u32;
	s11 =	sadd.s32 s11, s15;
	s15 =	simm.s32 $0x600;
	s12 =	ssub.s32 s12, s14  }
0x11: {  	v0 =	vmul.u32 $0x40, v0;
	s7 =	sadd.s32 s7, s13;
	s8 =	sadd.s32 s8, s13;
	s9 =	sadd.s32 s9, s13  }
0x12: {  	s13 =	simm.s32 $0x5;
	s14 =	simm.s32 $0x200;
	s12 =	smax.u32 s12, $0x1  }
.LBB2_1:
0x13: {  	[tilespmem:s3], [sflag:$0x5] =	stream.linear.gather [hbm4b:s7+s3], $0x200, $0x38;
	[tilespmem:$0x10B20] =	vst v63  }
0x14: {  	_ =	swait.ge [sflag:s13], $0x200  }
0x15: {  	[sflag:s13] =	ssyncset.done $0x0  }
0x16: {  	[sflag:s13] =	ssyncadd.s32 $0xFFFFFE00  }
0x17: {  	[tilespmem:s14], [sflag:$0x5] =	stream.linear.gather [hbm4b:s8+s3], $0x200, $0x38;
	[tilespmem:$0x10B20] =	vst v63  }
0x18: {  	_ =	swait.ge [sflag:s13], $0x200  }
0x19: {  	[sflag:s13] =	ssyncset.done $0x0  }
0x1a: {  	s23 =	simm.s32 $0x400;
	[sflag:s13] =	ssyncadd.s32 $0xFFFFFE00  }
0x1b: {  	[tilespmem:s23], [sflag:$0x5] =	stream.linear.gather [hbm4b:s9+s3], $0x200, $0x38;
	[tilespmem:$0x10B20] =	vst v63  }
0x1c: {  	_ =	swait.ge [sflag:s13], $0x200  }
0x1d: {  	[sflag:s13] =	ssyncset.done $0x0  }
0x1e: {  	[sflag:s13] =	ssyncadd.s32 $0xFFFFFE00  }
0x1f: {  	[tilespmem:s15], [sflag:$0x1] =	stream.indirect.gather [hbm4b:s4+s14], $0x40, s3, s14, $0xb8;
	[tilespmem:$0x10B20] =	vst v63  }
0x20: {  	_ = 	snop  }
0x21: {  	[tilespmem:s16], [sflag:$0x2] =	stream.indirect.gather [hbm4b:s5+s14], $0x40, s14, s14, $0xb8;
	[tilespmem:$0x10B20] =	vst v63  }
0x22: {  	s25 =	simm.s32 $0x10600  }
0x23: {  	[tilespmem:s25], [sflag:$0x3] =	stream.indirect.gather [hbm4b:s6+s14], $0x1, s3, s14, $0xb8;
	[tilespmem:$0x10B20] =	vst v63  }
0x24: {  	s24 =	simm.s32 $0x10800  }
0x25: {  	[tilespmem:s24], [sflag:$0x4] =	stream.indirect.gather [hbm4b:s1+s14], $0x1, s14, s14, $0xb8;
	[tilespmem:$0x10B20] =	vst v63  }
0x26: {  	_ =	swait.ge [sflag:s17], $0x8000  }
0x27: {  	[sflag:s17] =	ssyncset.done $0x0  }
0x28: {  	[sflag:s17] =	ssyncadd.s32 $0xFFFF8000  }
0x29: {  	_ =	swait.ge [sflag:s18], $0x8000  }
0x2a: {  	v1 =	vmov s3;
	[sflag:s18] =	ssyncset.done $0x0  }
0x2b: {  	v1 =	vshll.u32 v1, $0x6;
	[sflag:s18] =	ssyncadd.s32 $0xFFFF8000  }
0x2c: {  	v2 =	vor.u32 v0, v1;
	_ =	swait.ge [sflag:s19], $0x200  }
0x2d: {  	v1 =	vor.u32 $0x1, v2;
	[sflag:s19] =	ssyncset.done $0x0  }
0x2e: {  	[sflag:s19] =	ssyncadd.s32 $0xFFFFFE00  }
0x2f: {  	v54 =	vor.u32 $0x1B, v2;
	_ =	swait.ge [sflag:s20], $0x200  }
0x30: {  	[sflag:s20] =	ssyncset.done $0x0  }
0x31: {  	[sflag:s20] =	ssyncadd.s32 $0xFFFFFE00  }
0x32: {  	v9 =	vld.idx.msk [tilespmem:v1+s15+$0x0], $0xffff  }
0x33: {  	v7 =	vld.idx.msk [tilespmem:v1+s16+$0x0], $0xffff  }
0x34: {  	v56 =	vor.u32 $0x1C, v2;
	v1 =	vld.idx.msk [tilespmem:v54+s15+$0x0], $0xffff;
	_ =	sdelay $0x4  }
0x35: {  	v58 =	vor.u32 $0x1D, v2;
	[tilespmem:$0x1FBD0] =	vst v1;
	v1 =	vld.idx.msk [tilespmem:v56+s15+$0x0], $0xffff;
	_ =	sdelay $0x1  }
0x36: {  	v4 =	vor.u32 $0x2, v2;
	_ =	sdelay $0x1  }
0x37: {  	v62 =	vor.u32 $0x1F, v2  }
0x38: {  	v60 =	vor.u32 $0x1E, v2;
	[tilespmem:$0x1FBE0] =	vst v1;
	v1 =	vld.idx.msk [tilespmem:v58+s15+$0x0], $0xffff;
	_ =	sdelay $0x1  }
0x39: {  	v13 =	vld.idx.msk [tilespmem:v4+s15+$0x0], $0xffff  }
0x3a: {  	v12 =	vld.idx.msk [tilespmem:v4+s16+$0x0], $0xffff  }
0x3b: {  	v4 =	vld.idx.msk [tilespmem:v62+s15+$0x0], $0xffff  }
0x3c: {  	v3 =	vld.idx.msk [tilespmem:v60+s15+$0x0], $0xffff;
	[tilespmem:$0x1FBF0] =	vst v1;
	v1 =	vor.u32 $0x20, v2;
	_ =	sdelay $0x3  }
0x3d: {  	[tilespmem:$0x1FC10] =	vst v4;
	v4 =	vld.idx.msk [tilespmem:v62+s16+$0x0], $0xffff  }
0x3e: {  	[tilespmem:$0x1FC00] =	vst v3;
	v3 =	vor.u32 $0x21, v2;
	v5 =	vld.idx.msk [tilespmem:v1+s15+$0x0], $0xffff;
	_ =	sdelay $0x3  }
0x3f: {  	[tilespmem:$0x1FC20] =	vst v4;
	v1 =	vld.idx.msk [tilespmem:v1+s16+$0x0], $0xffff  }
0x40: {  	v4 =	vor.u32 $0x22, v2;
	[tilespmem:$0x1FC30] =	vst v5;
	v5 =	vld.idx.msk [tilespmem:v3+s15+$0x0], $0xffff;
	_ =	sdelay $0x3  }
0x41: {  	[tilespmem:$0x1FC40] =	vst v1;
	v3 =	vld.idx.msk [tilespmem:v3+s16+$0x0], $0xffff  }
0x42: {  	v1 =	vor.u32 $0x23, v2;
	[tilespmem:$0x1FC50] =	vst v5;
	v5 =	vld.idx.msk [tilespmem:v4+s15+$0x0], $0xffff;
	_ =	sdelay $0x3  }
0x43: {  	[tilespmem:$0x1FC60] =	vst v3;
	v4 =	vld.idx.msk [tilespmem:v4+s16+$0x0], $0xffff  }
0x44: {  	v3 =	vor.u32 $0x24, v2;
	[tilespmem:$0x1FC70] =	vst v5;
	v5 =	vld.idx.msk [tilespmem:v1+s15+$0x0], $0xffff;
	_ =	sdelay $0x3  }
0x45: {  	[tilespmem:$0x1FC80] =	vst v4;
	v1 =	vld.idx.msk [tilespmem:v1+s16+$0x0], $0xffff  }
0x46: {  	v4 =	vor.u32 $0x25, v2;
	[tilespmem:$0x1FC90] =	vst v5;
	v5 =	vld.idx.msk [tilespmem:v3+s15+$0x0], $0xffff;
	_ =	sdelay $0x3  }
0x47: {  	[tilespmem:$0x1FCA0] =	vst v1;
	v3 =	vld.idx.msk [tilespmem:v3+s16+$0x0], $0xffff  }
0x48: {  	v1 =	vor.u32 $0x26, v2;
	[tilespmem:$0x1FCB0] =	vst v5;
	v5 =	vld.idx.msk [tilespmem:v4+s15+$0x0], $0xffff;
	_ =	sdelay $0x3  }
0x49: {  	[tilespmem:$0x1FCC0] =	vst v3;
	v4 =	vld.idx.msk [tilespmem:v4+s16+$0x0], $0xffff  }
0x4a: {  	v3 =	vor.u32 $0x27, v2;
	[tilespmem:$0x1FCD0] =	vst v5;
	v5 =	vld.idx.msk [tilespmem:v1+s15+$0x0], $0xffff;
	_ =	sdelay $0x3  }
0x4b: {  	[tilespmem:$0x1FCE0] =	vst v4;
	v1 =	vld.idx.msk [tilespmem:v1+s16+$0x0], $0xffff  }
0x4c: {  	v4 =	vor.u32 $0x28, v2;
	[tilespmem:$0x1FCF0] =	vst v5;
	v5 =	vld.idx.msk [tilespmem:v3+s15+$0x0], $0xffff;
	_ =	sdelay $0x3  }
0x4d: {  	[tilespmem:$0x1FD00] =	vst v1;
	v3 =	vld.idx.msk [tilespmem:v3+s16+$0x0], $0xffff  }
0x4e: {  	v1 =	vor.u32 $0x29, v2;
	[tilespmem:$0x1FD10] =	vst v5;
	v5 =	vld.idx.msk [tilespmem:v4+s15+$0x0], $0xffff;
	_ =	sdelay $0x3  }
0x4f: {  	[tilespmem:$0x1FD20] =	vst v3;
	v4 =	vld.idx.msk [tilespmem:v4+s16+$0x0], $0xffff  }
0x50: {  	v3 =	vor.u32 $0x2A, v2;
	[tilespmem:$0x1FD30] =	vst v5;
	v5 =	vld.idx.msk [tilespmem:v1+s15+$0x0], $0xffff;
	_ =	sdelay $0x3  }
0x51: {  	[tilespmem:$0x1FD40] =	vst v4;
	v1 =	vld.idx.msk [tilespmem:v1+s16+$0x0], $0xffff  }
0x52: {  	v4 =	vor.u32 $0x2B, v2;
	[tilespmem:$0x1FD50] =	vst v5;
	v5 =	vld.idx.msk [tilespmem:v3+s15+$0x0], $0xffff;
	_ =	sdelay $0x3  }
0x53: {  	[tilespmem:$0x1FD60] =	vst v1;
	v3 =	vld.idx.msk [tilespmem:v3+s16+$0x0], $0xffff  }
0x54: {  	v1 =	vor.u32 $0x2C, v2;
	[tilespmem:$0x1FD70] =	vst v5;
	v5 =	vld.idx.msk [tilespmem:v4+s15+$0x0], $0xffff;
	_ =	sdelay $0x3  }
0x55: {  	[tilespmem:$0x1FD80] =	vst v3;
	v4 =	vld.idx.msk [tilespmem:v4+s16+$0x0], $0xffff  }
0x56: {  	v3 =	vor.u32 $0x2D, v2;
	[tilespmem:$0x1FD90] =	vst v5;
	v5 =	vld.idx.msk [tilespmem:v1+s15+$0x0], $0xffff;
	_ =	sdelay $0x3  }
0x57: {  	[tilespmem:$0x1FDA0] =	vst v4;
	v1 =	vld.idx.msk [tilespmem:v1+s16+$0x0], $0xffff  }
0x58: {  	v4 =	vor.u32 $0x2E, v2;
	[tilespmem:$0x1FDB0] =	vst v5;
	v5 =	vld.idx.msk [tilespmem:v3+s15+$0x0], $0xffff;
	_ =	sdelay $0x3  }
0x59: {  	[tilespmem:$0x1FDC0] =	vst v1;
	v3 =	vld.idx.msk [tilespmem:v3+s16+$0x0], $0xffff  }
0x5a: {  	v1 =	vor.u32 $0x2F, v2;
	[tilespmem:$0x1FDD0] =	vst v5;
	v5 =	vld.idx.msk [tilespmem:v4+s15+$0x0], $0xffff;
	_ =	sdelay $0x3  }
0x5b: {  	[tilespmem:$0x1FDE0] =	vst v3;
	v4 =	vld.idx.msk [tilespmem:v4+s16+$0x0], $0xffff  }
0x5c: {  	v3 =	vor.u32 $0x30, v2;
	[tilespmem:$0x1FDF0] =	vst v5;
	v5 =	vld.idx.msk [tilespmem:v1+s15+$0x0], $0xffff;
	_ =	sdelay $0x3  }
0x5d: {  	[tilespmem:$0x1FE00] =	vst v4;
	v1 =	vld.idx.msk [tilespmem:v1+s16+$0x0], $0xffff  }
0x5e: {  	v4 =	vor.u32 $0x31, v2;
	[tilespmem:$0x1FE10] =	vst v5;
	v5 =	vld.idx.msk [tilespmem:v3+s15+$0x0], $0xffff;
	_ =	sdelay $0x3  }
0x5f: {  	[tilespmem:$0x1FE20] =	vst v1;
	v3 =	vld.idx.msk [tilespmem:v3+s16+$0x0], $0xffff  }
0x60: {  	v1 =	vor.u32 $0x32, v2;
	[tilespmem:$0x1FE30] =	vst v5;
	v5 =	vld.idx.msk [tilespmem:v4+s15+$0x0], $0xffff;
	_ =	sdelay $0x3  }
0x61: {  	[tilespmem:$0x1FE40] =	vst v3;
	v4 =	vld.idx.msk [tilespmem:v4+s16+$0x0], $0xffff  }
0x62: {  	v3 =	vor.u32 $0x33, v2;
	[tilespmem:$0x1FE50] =	vst v5;
	v5 =	vld.idx.msk [tilespmem:v1+s15+$0x0], $0xffff;
	_ =	sdelay $0x3  }
0x63: {  	[tilespmem:$0x1FE60] =	vst v4;
	v1 =	vld.idx.msk [tilespmem:v1+s16+$0x0], $0xffff  }
0x64: {  	v4 =	vor.u32 $0x34, v2;
	[tilespmem:$0x1FE70] =	vst v5;
	v5 =	vld.idx.msk [tilespmem:v3+s15+$0x0], $0xffff;
	_ =	sdelay $0x3  }
0x65: {  	[tilespmem:$0x1FE80] =	vst v1  }
0x66: {  	v1 =	vor.u32 $0x35, v2;
	[tilespmem:$0x1FE90] =	vst v5;
	v5 =	vld.idx.msk [tilespmem:v4+s15+$0x0], $0xffff  }
0x67: {  	v3 =	vld.idx.msk [tilespmem:v3+s16+$0x0], $0xffff;
	_ =	sdelay $0x3  }
0x68: {  	v6 =	vor.u32 $0x3, v2;
	[tilespmem:$0x1FEB0] =	vst v5;
	v5 =	vld.idx.msk [tilespmem:v1+s15+$0x0], $0xffff  }
0x69: {  	[tilespmem:$0x1FEA0] =	vst v3;
	v3 =	vor.u32 $0x36, v2;
	v1 =	vld.idx.msk [tilespmem:v1+s16+$0x0], $0xffff  }
0x6a: {  	v4 =	vld.idx.msk [tilespmem:v4+s16+$0x0], $0xffff  }
0x6b: {  	v8 =	vor.u32 $0x4, v2;
	_ =	sdelay $0x1  }
0x6c: {  	v10 =	vor.u32 $0x5, v2;
	v17 =	vld.idx.msk [tilespmem:v6+s15+$0x0], $0xffff  }
0x6d: {  	[tilespmem:$0x1FEE0] =	vst v1;
	v1 =	vld.idx.msk [tilespmem:v3+s15+$0x0], $0xffff  }
0x6e: {  	v15 =	vld.idx.msk [tilespmem:v6+s16+$0x0], $0xffff;
	[tilespmem:$0x1FEC0] =	vst v4;
	v4 =	vor.u32 $0x37, v2  }
0x6f: {  	v19 =	vld.idx.msk [tilespmem:v8+s15+$0x0], $0xffff  }
0x70: {  	v11 =	vor.u32 $0x6, v2;
	v8 =	vld.idx.msk [tilespmem:v8+s16+$0x0], $0xffff  }
0x71: {  	v21 =	vld.idx.msk [tilespmem:v10+s15+$0x0], $0xffff  }
0x72: {  	v14 =	vor.u32 $0x7, v2;
	[tilespmem:$0x1FEF0] =	vst v1;
	v1 =	vld.idx.msk [tilespmem:v3+s16+$0x0], $0xffff  }
0x73: {  	v3 =	vld.idx.msk [tilespmem:v4+s15+$0x0], $0xffff  }
0x74: {  	v10 =	vld.idx.msk [tilespmem:v10+s16+$0x0], $0xffff  }
0x75: {  	v16 =	vor.u32 $0x8, v2;
	v23 =	vld.idx.msk [tilespmem:v11+s15+$0x0], $0xffff  }
0x76: {  	v11 =	vld.idx.msk [tilespmem:v11+s16+$0x0], $0xffff  }
0x77: {  	v18 =	vor.u32 $0x9, v2;
	v25 =	vld.idx.msk [tilespmem:v14+s15+$0x0], $0xffff;
	[tilespmem:$0x1FF00] =	vst v1  }
0x78: {  	v1 =	vor.u32 $0x38, v2;
	[tilespmem:$0x1FF10] =	vst v3;
	v3 =	vld.idx.msk [tilespmem:v4+s16+$0x0], $0xffff  }
0x79: {  	v14 =	vld.idx.msk [tilespmem:v14+s16+$0x0], $0xffff  }
0x7a: {  	v27 =	vld.idx.msk [tilespmem:v16+s15+$0x0], $0xffff  }
0x7b: {  	v16 =	vld.idx.msk [tilespmem:v16+s16+$0x0], $0xffff  }
0x7c: {  	v29 =	vld.idx.msk [tilespmem:v18+s15+$0x0], $0xffff  }
0x7d: {  	[tilespmem:$0x1FF20] =	vst v3;
	v3 =	vor.u32 $0x39, v2;
	v62 =	vld.idx.msk [tilespmem:v1+s15+$0x0], $0xffff  }
0x7e: {  	v20 =	vor.u32 $0xA, v2;
	v6 =	vld.idx.msk [tilespmem:v2+s15+$0x0], $0xffff  }
0x7f: {  	[tilespmem:$0x1FED0] =	vst v5;
	v5 =	vld.idx.msk [tilespmem:v2+s16+$0x0], $0xffff  }
0x80: {  	v4 =	vor.u32 $0x3A, v2;
	v1 =	vld.idx.msk [tilespmem:v1+s16+$0x0], $0xffff  }
0x81: {  	v22 =	vor.u32 $0xB, v2;
	v18 =	vld.idx.msk [tilespmem:v18+s16+$0x0], $0xffff  }
0x82: {  	[tilespmem:$0x1FF30] =	vst v62;
	v62 =	vld.idx.msk [tilespmem:v3+s15+$0x0], $0xffff  }
0x83: {  	v31 =	vld.idx.msk [tilespmem:v20+s15+$0x0], $0xffff  }
0x84: {  	v20 =	vld.idx.msk [tilespmem:v20+s16+$0x0], $0xffff  }
0x85: {  	v5 =	vmul.f32 v5, v6;
	v6 =	vld.idx.msk [tilespmem:v4+s15+$0x0], $0xffff;
	[tilespmem:$0x1FF40] =	vst v1;
	v1 =	vor.u32 $0x3B, v2  }
0x86: {  	v33 =	vld.idx.msk [tilespmem:v22+s15+$0x0], $0xffff  }
0x87: {  	[tilespmem:$0x1FF50] =	vst v62;
	v62 =	vld.idx.msk [tilespmem:v3+s16+$0x0], $0xffff;
	v3 =	vor.u32 $0x3C, v2  }
0x88: {  	v4 =	vld.idx.msk [tilespmem:v4+s16+$0x0], $0xffff  }
0x89: {  	v24 =	vor.u32 $0xC, v2;
	v22 =	vld.idx.msk [tilespmem:v22+s16+$0x0], $0xffff  }
0x8a: {  	v5 =	vadd.f32 $0.0e+00, v5;
	[tilespmem:$0x1FF60] =	vst v6;
	v6 =	vmul.f32 v7, v9;
	v7 =	vld.idx.msk [tilespmem:v1+s15+$0x0], $0xffff  }
0x8b: {  	v26 =	vor.u32 $0xD, v2;
	v1 =	vld.idx.msk [tilespmem:v1+s16+$0x0], $0xffff  }
0x8c: {  	v5 =	vadd.f32 v6, v5;
	v6 =	vld.idx.msk [tilespmem:v3+s15+$0x0], $0xffff  }
0x8d: {  	v28 =	vor.u32 $0xE, v2;
	v30 =	vor.u32 $0xF, v2;
	[tilespmem:$0x1FF70] =	vst v4;
	v4 =	vor.u32 $0x3D, v2;
	v3 =	vld.idx.msk [tilespmem:v3+s16+$0x0], $0xffff  }
0x8e: {  	v32 =	vor.u32 $0x10, v2;
	v34 =	vor.u32 $0x11, v2;
	v36 =	vor.u32 $0x12, v2;
	v35 =	vld.idx.msk [tilespmem:v24+s15+$0x0], $0xffff  }
0x8f: {  	v38 =	vor.u32 $0x13, v2;
	v40 =	vor.u32 $0x14, v2;
	v42 =	vor.u32 $0x15, v2;
	v24 =	vld.idx.msk [tilespmem:v24+s16+$0x0], $0xffff  }
0x90: {  	s26 =	simm.s32 $0x10;
	v44 =	vor.u32 $0x16, v2;
	v46 =	vor.u32 $0x17, v2;
	v48 =	vor.u32 $0x18, v2;
	v37 =	vld.idx.msk [tilespmem:v26+s15+$0x0], $0xffff;
	[tilespmem:$0x1FF90] =	vst v1  }
0x91: {  	v50 =	vor.u32 $0x19, v2;
	v52 =	vor.u32 $0x1A, v2;
	v26 =	vld.idx.msk [tilespmem:v26+s16+$0x0], $0xffff;
	[tilespmem:$0x1FFA0] =	vst v6;
	v6 =	vmov s26  }
0x92: {  	v1 =	vor.u32 $0x3E, v2;
	[tilespmem:$0x1FFB0] =	vst v3;
	v3 =	vor.u32 $0x3F, v2;
	v2 =	vshll.u32 v6, $0x6;
	v6 =	vld.idx.msk [tilespmem:v4+s15+$0x0], $0xffff  }
0x93: {  	v39 =	vld.idx.msk [tilespmem:v28+s15+$0x0], $0xffff  }
0x94: {  	v28 =	vld.idx.msk [tilespmem:v28+s16+$0x0], $0xffff  }
0x95: {  	v41 =	vld.idx.msk [tilespmem:v30+s15+$0x0], $0xffff;
	[tilespmem:$0x1FF80] =	vst v7;
	v7 =	vmul.f32 v12, v13  }
0x96: {  	v30 =	vld.idx.msk [tilespmem:v30+s16+$0x0], $0xffff  }
0x97: {  	v43 =	vld.idx.msk [tilespmem:v32+s15+$0x0], $0xffff;
	v5 =	vadd.f32 v7, v5;
	[tilespmem:$0x1FFC0] =	vst v6;
	v6 =	vmul.f32 v15, v17  }
0x98: {  	v32 =	vld.idx.msk [tilespmem:v32+s16+$0x0], $0xffff  }
0x99: {  	v45 =	vld.idx.msk [tilespmem:v34+s15+$0x0], $0xffff;
	v5 =	vadd.f32 v6, v5;
	v6 =	vmul.f32 v8, v19  }
0x9a: {  	v34 =	vld.idx.msk [tilespmem:v34+s16+$0x0], $0xffff  }
0x9b: {  	v47 =	vld.idx.msk [tilespmem:v36+s15+$0x0], $0xffff;
	v5 =	vadd.f32 v6, v5;
	v6 =	vmul.f32 v10, v21  }
0x9c: {  	v36 =	vld.idx.msk [tilespmem:v36+s16+$0x0], $0xffff  }
0x9d: {  	v49 =	vld.idx.msk [tilespmem:v38+s15+$0x0], $0xffff;
	v5 =	vadd.f32 v6, v5;
	v6 =	vmul.f32 v11, v23  }
0x9e: {  	v38 =	vld.idx.msk [tilespmem:v38+s16+$0x0], $0xffff  }
0x9f: {  	v51 =	vld.idx.msk [tilespmem:v40+s15+$0x0], $0xffff;
	v5 =	vadd.f32 v6, v5;
	v6 =	vmul.f32 v14, v25  }
0xa0: {  	v40 =	vld.idx.msk [tilespmem:v40+s16+$0x0], $0xffff  }
0xa1: {  	v53 =	vld.idx.msk [tilespmem:v42+s15+$0x0], $0xffff;
	v5 =	vadd.f32 v6, v5;
	v6 =	vmul.f32 v16, v27  }
0xa2: {  	v42 =	vld.idx.msk [tilespmem:v42+s16+$0x0], $0xffff  }
0xa3: {  	v55 =	vld.idx.msk [tilespmem:v44+s15+$0x0], $0xffff;
	v5 =	vadd.f32 v6, v5;
	v6 =	vmul.f32 v18, v29  }
0xa4: {  	v44 =	vld.idx.msk [tilespmem:v44+s16+$0x0], $0xffff  }
0xa5: {  	v57 =	vld.idx.msk [tilespmem:v46+s15+$0x0], $0xffff;
	v5 =	vadd.f32 v6, v5;
	v6 =	vmul.f32 v20, v31  }
0xa6: {  	v46 =	vld.idx.msk [tilespmem:v46+s16+$0x0], $0xffff  }
0xa7: {  	v59 =	vld.idx.msk [tilespmem:v48+s15+$0x0], $0xffff;
	v5 =	vadd.f32 v6, v5;
	v6 =	vmul.f32 v22, v33  }
0xa8: {  	v48 =	vld.idx.msk [tilespmem:v48+s16+$0x0], $0xffff  }
0xa9: {  	v61 =	vld.idx.msk [tilespmem:v50+s15+$0x0], $0xffff;
	v5 =	vadd.f32 v6, v5;
	v6 =	vmul.f32 v24, v35  }
0xaa: {  	v50 =	vld.idx.msk [tilespmem:v50+s16+$0x0], $0xffff  }
0xab: {  	v7 =	vld.idx.msk [tilespmem:v1+s15+$0x0], $0xffff;
	v5 =	vadd.f32 v6, v5;
	v6 =	vmul.f32 v26, v37  }
0xac: {  	v1 =	vld.idx.msk [tilespmem:v1+s16+$0x0], $0xffff  }
0xad: {  	v63 =	vld.idx.msk [tilespmem:v52+s15+$0x0], $0xffff;
	v5 =	vadd.f32 v6, v5;
	v6 =	vmul.f32 v28, v39  }
0xae: {  	v52 =	vld.idx.msk [tilespmem:v52+s16+$0x0], $0xffff  }
0xaf: {  	v54 =	vld.idx.msk [tilespmem:v54+s16+$0x0], $0xffff;
	v5 =	vadd.f32 v6, v5;
	v6 =	vmul.f32 v30, v41  }
0xb0: {  	v4 =	vld.idx.msk [tilespmem:v4+s16+$0x0], $0xffff;
	v2 =	vor.u32 v0, v2  }
0xb1: {  	v60 =	vld.idx.msk [tilespmem:v60+s16+$0x0], $0xffff;
	[tilespmem:$0x1FFF0] =	vst v1;
	v1 =	vor.u32 $0x2, v2;
	v5 =	vadd.f32 v6, v5;
	v6 =	vmul.f32 v32, v43  }
0xb2: {  	v56 =	vld.idx.msk [tilespmem:v56+s16+$0x0], $0xffff  }
0xb3: {  	v58 =	vld.idx.msk [tilespmem:v58+s16+$0x0], $0xffff;
	v5 =	vadd.f32 v6, v5;
	v6 =	vmul.f32 v34, v45  }
0xb4: {  	v19 =	vld.idx.msk [tilespmem:v3+s15+$0x0], $0xffff  }
0xb5: {  	[tilespmem:$0x1FFD0] =	vst v4;
	v4 =	vor.u32 $0x1, v2;
	v21 =	vld.idx.msk [tilespmem:v3+s16+$0x0], $0xffff;
	v5 =	vadd.f32 v6, v5;
	v6 =	vmul.f32 v36, v47  }
0xb6: {  	v8 =	vld.idx.msk [tilespmem:v1+s15+$0x0], $0xffff  }
0xb7: {  	[tilespmem:$0x1FFE0] =	vst v7;
	v7 =	vor.u32 $0x3, v2;
	v1 =	vld.idx.msk [tilespmem:v1+s16+$0x0], $0xffff;
	v5 =	vadd.f32 v6, v5;
	v6 =	vmul.f32 v38, v49  }
0xb8: {  	v10 =	vld.idx.msk [tilespmem:v2+s15+$0x0], $0xffff  }
0xb9: {  	v11 =	vld.idx.msk [tilespmem:v2+s16+$0x0], $0xffff;
	v23 =	vor.u32 $0x5, v2;
	v5 =	vadd.f32 v6, v5;
	v6 =	vmul.f32 v40, v51  }
0xba: {  	v3 =	vld.idx.msk [tilespmem:v4+s15+$0x0], $0xffff  }
0xbb: {  	v4 =	vld.idx.msk [tilespmem:v4+s16+$0x0], $0xffff;
	v27 =	vor.u32 $0x6, v2;
	v5 =	vadd.f32 v6, v5;
	v6 =	vmul.f32 v42, v53  }
0xbc: {  	v25 =	vld.idx.msk [tilespmem:v7+s15+$0x0], $0xffff  }
0xbd: {  	v9 =	vor.u32 $0x4, v2;
	v7 =	vld.idx.msk [tilespmem:v7+s16+$0x0], $0xffff;
	v5 =	vadd.f32 v6, v5;
	v6 =	vmul.f32 v44, v55  }
0xbe: {  	v10 =	vmul.f32 v11, v10;
	v11 =	vld.idx.msk [tilespmem:v23+s15+$0x0], $0xffff  }
0xbf: {  	v12 =	vld.idx.msk [tilespmem:v23+s16+$0x0], $0xffff;
	v31 =	vor.u32 $0x7, v2;
	v5 =	vadd.f32 v6, v5;
	v6 =	vmul.f32 v46, v57  }
0xc0: {  	v3 =	vmul.f32 v4, v3;
	v4 =	vadd.f32 $0.0e+00, v10;
	v10 =	vld.idx.msk [tilespmem:v27+s15+$0x0], $0xffff  }
0xc1: {  	v14 =	vld.idx.msk [tilespmem:v27+s16+$0x0], $0xffff;
	v27 =	vor.u32 $0xD, v2;
	v5 =	vadd.f32 v6, v5;
	v6 =	vmul.f32 v48, v59  }
0xc2: {  	v29 =	vld.idx.msk [tilespmem:v9+s15+$0x0], $0xffff  }
0xc3: {  	v9 =	vld.idx.msk [tilespmem:v9+s16+$0x0], $0xffff;
	v33 =	vor.u32 $0x8, v2;
	v5 =	vadd.f32 v6, v5;
	v6 =	vmul.f32 v50, v61  }
0xc4: {  	v1 =	vmul.f32 v1, v8;
	v3 =	vadd.f32 v3, v4;
	v4 =	vld.idx.msk [tilespmem:v31+s15+$0x0], $0xffff  }
0xc5: {  	v23 =	vor.u32 $0xB, v2;
	v8 =	vld.idx.msk [tilespmem:v31+s16+$0x0], $0xffff;
	v5 =	vadd.f32 v6, v5;
	v6 =	vmul.f32 v52, v63  }
0xc6: {  	v35 =	vor.u32 $0x9, v2;
	v31 =	vld.idx.msk [tilespmem:v27+s16+$0x0], $0xffff  }
0xc7: {  	v1 =	vadd.f32 v1, v3;
	v3 =	vmul.f32 v7, v25;
	v5 =	vadd.f32 v6, v5;
	v6 =	vld [tilespmem:$0x1FBD0]  }
0xc8: {  	v7 =	vld.idx.msk [tilespmem:v33+s15+$0x0], $0xffff  }
0xc9: {  	v1 =	vadd.f32 v3, v1;
	v3 =	vmul.f32 v9, v29;
	v22 =	vld.idx.msk [tilespmem:v33+s16+$0x0], $0xffff  }
0xca: {  	v29 =	vor.u32 $0xE, v2;
	v28 =	vld.idx.msk [tilespmem:v23+s16+$0x0], $0xffff  }
0xcb: {  	v37 =	vor.u32 $0xA, v2;
	v1 =	vadd.f32 v3, v1;
	v3 =	vmul.f32 v12, v11;
	v9 =	vld.idx.msk [tilespmem:v35+s15+$0x0], $0xffff  }
0xcc: {  	v24 =	vld.idx.msk [tilespmem:v35+s16+$0x0], $0xffff;
	v6 =	vmul.f32 v54, v6  }
0xcd: {  	v25 =	vor.u32 $0xC, v2;
	v1 =	vadd.f32 v3, v1;
	v3 =	vmul.f32 v14, v10;
	v10 =	vld.idx.msk [tilespmem:v23+s15+$0x0], $0xffff  }
0xce: {  	v5 =	vadd.f32 v6, v5;
	v6 =	vld [tilespmem:$0x1FBE0]  }
0xcf: {  	v33 =	vld.idx.msk [tilespmem:v29+s16+$0x0], $0xffff  }
0xd0: {  	v11 =	vld.idx.msk [tilespmem:v37+s15+$0x0], $0xffff  }
0xd1: {  	v26 =	vld.idx.msk [tilespmem:v37+s16+$0x0], $0xffff;
	v1 =	vadd.f32 v3, v1;
	v3 =	vmul.f32 v8, v4  }
0xd2: {  	v30 =	vor.u32 $0xF, v2;
	v4 =	vld.idx.msk [tilespmem:v25+s15+$0x0], $0xffff  }
0xd3: {  	v8 =	vld.idx.msk [tilespmem:v25+s16+$0x0], $0xffff;
	v1 =	vadd.f32 v3, v1;
	v3 =	vmul.f32 v22, v7;
	v6 =	vmul.f32 v56, v6  }
0xd4: {  	v32 =	vor.u32 $0x10, v2;
	v7 =	vld.idx.msk [tilespmem:v27+s15+$0x0], $0xffff  }
0xd5: {  	v1 =	vadd.f32 v3, v1;
	v3 =	vmul.f32 v24, v9;
	v5 =	vadd.f32 v6, v5;
	v6 =	vld [tilespmem:$0x1FBF0]  }
0xd6: {  	v34 =	vor.u32 $0x11, v2;
	v9 =	vld.idx.msk [tilespmem:v29+s15+$0x0], $0xffff  }
0xd7: {  	v35 =	vld.idx.msk [tilespmem:v30+s16+$0x0], $0xffff;
	v1 =	vadd.f32 v3, v1;
	v3 =	vmul.f32 v26, v11  }
0xd8: {  	v11 =	vld.idx.msk [tilespmem:v30+s15+$0x0], $0xffff  }
0xd9: {  	v36 =	vor.u32 $0x12, v2;
	v37 =	vld.idx.msk [tilespmem:v32+s16+$0x0], $0xffff;
	v1 =	vadd.f32 v3, v1;
	v3 =	vmul.f32 v28, v10  }
0xda: {  	v10 =	vld.idx.msk [tilespmem:v32+s15+$0x0], $0xffff;
	v6 =	vmul.f32 v58, v6  }
0xdb: {  	v1 =	vadd.f32 v3, v1;
	v3 =	vmul.f32 v8, v4;
	v4 =	vld.idx.msk [tilespmem:v34+s15+$0x0], $0xffff  }
0xdc: {  	v38 =	vor.u32 $0x13, v2;
	v5 =	vadd.f32 v6, v5;
	v6 =	vld [tilespmem:$0x1FC00]  }
0xdd: {  	v39 =	vor.u32 $0x14, v2;
	v8 =	vld.idx.msk [tilespmem:v34+s16+$0x0], $0xffff  }
0xde: {  	v40 =	vld.idx.msk [tilespmem:v36+s16+$0x0], $0xffff;
	v1 =	vadd.f32 v3, v1;
	v3 =	vmul.f32 v31, v7  }
0xdf: {  	v53 =	vld [tilespmem:$0x1FC20]  }
0xe0: {  	v41 =	vor.u32 $0x15, v2;
	v7 =	vld.idx.msk [tilespmem:v36+s15+$0x0], $0xffff;
	v1 =	vadd.f32 v3, v1;
	v3 =	vmul.f32 v33, v9  }
0xe1: {  	v42 =	vld.idx.msk [tilespmem:v38+s16+$0x0], $0xffff;
	v6 =	vmul.f32 v60, v6  }
0xe2: {  	v44 =	vld.idx.msk [tilespmem:v39+s16+$0x0], $0xffff;
	v1 =	vadd.f32 v3, v1;
	v3 =	vmul.f32 v35, v11  }
0xe3: {  	v43 =	vor.u32 $0x16, v2;
	v5 =	vadd.f32 v6, v5;
	v6 =	vld [tilespmem:$0x1FC10]  }
0xe4: {  	v9 =	vld.idx.msk [tilespmem:v38+s15+$0x0], $0xffff;
	v1 =	vadd.f32 v3, v1;
	v3 =	vmul.f32 v37, v10  }
0xe5: {  	v46 =	vld.idx.msk [tilespmem:v41+s16+$0x0], $0xffff  }
0xe6: {  	v11 =	vld.idx.msk [tilespmem:v39+s15+$0x0], $0xffff;
	v1 =	vadd.f32 v3, v1;
	v3 =	vmul.f32 v8, v4  }
0xe7: {  	v10 =	vld.idx.msk [tilespmem:v41+s15+$0x0], $0xffff  }
0xe8: {  	v4 =	vld.idx.msk [tilespmem:v43+s15+$0x0], $0xffff;
	v1 =	vadd.f32 v3, v1;
	v3 =	vmul.f32 v40, v7;
	v6 =	vmul.f32 v53, v6  }
0xe9: {  	v56 =	vld [tilespmem:$0x1FC40]  }
0xea: {  	v1 =	vadd.f32 v3, v1;
	v3 =	vmul.f32 v42, v9;
	v5 =	vadd.f32 v6, v5;
	v6 =	vld [tilespmem:$0x1FC30]  }
0xeb: {  	v8 =	vld.idx.msk [tilespmem:v43+s16+$0x0], $0xffff  }
0xec: {  	v1 =	vadd.f32 v3, v1;
	v3 =	vmul.f32 v44, v11;
	_ =	sdelay $0x1  }
0xed: {  	v1 =	vadd.f32 v3, v1;
	v3 =	vmul.f32 v46, v10  }
0xee: {  	v6 =	vmul.f32 v56, v6  }
0xef: {  	v1 =	vadd.f32 v3, v1;
	v3 =	vmul.f32 v8, v4;
	v8 =	vld [tilespmem:$0x1FC60]  }
0xf0: {  	v5 =	vadd.f32 v6, v5;
	v6 =	vld [tilespmem:$0x1FC50];
	_ =	sdelay $0x4  }
0xf1: {  	v6 =	vmul.f32 v8, v6  }
0xf2: {  	v60 =	vld [tilespmem:$0x1FC80]  }
0xf3: {  	v5 =	vadd.f32 v6, v5;
	v6 =	vld [tilespmem:$0x1FC70];
	_ =	sdelay $0x4  }
0xf4: {  	v6 =	vmul.f32 v60, v6  }
0xf5: {  	v20 =	vld [tilespmem:$0x1FCA0]  }
0xf6: {  	v45 =	vor.u32 $0x17, v2;
	v5 =	vadd.f32 v6, v5;
	v6 =	vld [tilespmem:$0x1FC90];
	_ =	sdelay $0x2  }
0xf7: {  	v23 =	vld [tilespmem:$0x1FCC0];
	v47 =	vor.u32 $0x18, v2  }
0xf8: {  	v26 =	vld [tilespmem:$0x1FCE0]  }
0xf9: {  	v49 =	vld.idx.msk [tilespmem:v45+s16+$0x0], $0xffff;
	v48 =	vor.u32 $0x19, v2;
	v6 =	vmul.f32 v20, v6  }
0xfa: {  	v7 =	vld.idx.msk [tilespmem:v45+s15+$0x0], $0xffff  }
0xfb: {  	v50 =	vor.u32 $0x1A, v2;
	v5 =	vadd.f32 v6, v5;
	v6 =	vld [tilespmem:$0x1FCB0]  }
0xfc: {  	v51 =	vld.idx.msk [tilespmem:v47+s16+$0x0], $0xffff  }
0xfd: {  	v9 =	vld.idx.msk [tilespmem:v47+s15+$0x0], $0xffff  }
0xfe: {  	v11 =	vld.idx.msk [tilespmem:v48+s15+$0x0], $0xffff  }
0xff: {  	v54 =	vld.idx.msk [tilespmem:v48+s16+$0x0], $0xffff  }
0x100: {  	v57 =	vld.idx.msk [tilespmem:v50+s16+$0x0], $0xffff;
	v1 =	vadd.f32 v3, v1;
	v3 =	vmul.f32 v49, v7;
	v6 =	vmul.f32 v23, v6  }
0x101: {  	v10 =	vld.idx.msk [tilespmem:v50+s15+$0x0], $0xffff  }
0x102: {  	v1 =	vadd.f32 v3, v1;
	v3 =	vmul.f32 v51, v9;
	v5 =	vadd.f32 v6, v5;
	v6 =	vld [tilespmem:$0x1FCD0];
	_ =	sdelay $0x1  }
0x103: {  	v1 =	vadd.f32 v3, v1;
	v3 =	vmul.f32 v54, v11;
	_ =	sdelay $0x1  }
0x104: {  	v1 =	vadd.f32 v3, v1;
	v3 =	vmul.f32 v57, v10  }
0x105: {  	v6 =	vmul.f32 v26, v6  }
0x106: {  	v27 =	vadd.f32 v3, v1;
	v3 =	vld [tilespmem:$0x1FCF0]  }
0x107: {  	v5 =	vadd.f32 v6, v5;
	v6 =	vld [tilespmem:$0x1FD00];
	_ =	sdelay $0x4  }
0x108: {  	v6 =	vmul.f32 v6, v3  }
0x109: {  	v29 =	vld [tilespmem:$0x1FD20]  }
0x10a: {  	v5 =	vadd.f32 v6, v5;
	v6 =	vld [tilespmem:$0x1FD10];
	_ =	sdelay $0x4  }
0x10b: {  	v6 =	vmul.f32 v29, v6  }
0x10c: {  	v32 =	vld [tilespmem:$0x1FD40]  }
0x10d: {  	v5 =	vadd.f32 v6, v5;
	v6 =	vld [tilespmem:$0x1FD30];
	_ =	sdelay $0x4  }
0x10e: {  	v6 =	vmul.f32 v32, v6  }
0x10f: {  	v34 =	vld [tilespmem:$0x1FD60]  }
0x110: {  	v5 =	vadd.f32 v6, v5;
	v6 =	vld [tilespmem:$0x1FD50];
	_ =	sdelay $0x4  }
0x111: {  	v6 =	vmul.f32 v34, v6  }
0x112: {  	v37 =	vld [tilespmem:$0x1FD80]  }
0x113: {  	v5 =	vadd.f32 v6, v5;
	v6 =	vld [tilespmem:$0x1FD70];
	_ =	sdelay $0x4  }
0x114: {  	v6 =	vmul.f32 v37, v6  }
0x115: {  	v40 =	vld [tilespmem:$0x1FDA0]  }
0x116: {  	v5 =	vadd.f32 v6, v5;
	v6 =	vld [tilespmem:$0x1FD90];
	_ =	sdelay $0x4  }
0x117: {  	v6 =	vmul.f32 v40, v6  }
0x118: {  	v42 =	vld [tilespmem:$0x1FDC0]  }
0x119: {  	v5 =	vadd.f32 v6, v5;
	v6 =	vld [tilespmem:$0x1FDB0];
	_ =	sdelay $0x4  }
0x11a: {  	v6 =	vmul.f32 v42, v6  }
0x11b: {  	v46 =	vld [tilespmem:$0x1FDE0]  }
0x11c: {  	v5 =	vadd.f32 v6, v5;
	v6 =	vld [tilespmem:$0x1FDD0];
	_ =	sdelay $0x4  }
0x11d: {  	v6 =	vmul.f32 v46, v6  }
0x11e: {  	v49 =	vld [tilespmem:$0x1FE00]  }
0x11f: {  	v5 =	vadd.f32 v6, v5;
	v6 =	vld [tilespmem:$0x1FDF0];
	_ =	sdelay $0x4  }
0x120: {  	v6 =	vmul.f32 v49, v6  }
0x121: {  	v55 =	vor.u32 $0x1C, v2;
	v51 =	vld [tilespmem:$0x1FE20]  }
0x122: {  	v5 =	vadd.f32 v6, v5;
	v6 =	vld [tilespmem:$0x1FE10];
	_ =	sdelay $0x3  }
0x123: {  	v61 =	vld.idx.msk [tilespmem:v55+s16+$0x0], $0xffff  }
0x124: {  	v7 =	vld.idx.msk [tilespmem:v55+s15+$0x0], $0xffff;
	v6 =	vmul.f32 v51, v6  }
0x125: {  	v55 =	vld [tilespmem:$0x1FE40];
	v58 =	vor.u32 $0x1D, v2  }
0x126: {  	v5 =	vadd.f32 v6, v5;
	v6 =	vld [tilespmem:$0x1FE30];
	_ =	sdelay $0x3  }
0x127: {  	v9 =	vld.idx.msk [tilespmem:v58+s15+$0x0], $0xffff  }
0x128: {  	v22 =	vld.idx.msk [tilespmem:v58+s16+$0x0], $0xffff;
	v6 =	vmul.f32 v55, v6  }
0x129: {  	v58 =	vld [tilespmem:$0x1FE60]  }
0x12a: {  	v5 =	vadd.f32 v6, v5;
	v6 =	vld [tilespmem:$0x1FE50];
	_ =	sdelay $0x4  }
0x12b: {  	v6 =	vmul.f32 v58, v6  }
0x12c: {  	v60 =	vld [tilespmem:$0x1FE80]  }
0x12d: {  	v5 =	vadd.f32 v6, v5;
	v6 =	vld [tilespmem:$0x1FE70];
	_ =	sdelay $0x4  }
0x12e: {  	v6 =	vmul.f32 v60, v6  }
0x12f: {  	v28 =	vor.u32 $0x22, v2;
	v23 =	vld [tilespmem:$0x1FEA0]  }
0x130: {  	v52 =	vor.u32 $0x1B, v2;
	v5 =	vadd.f32 v6, v5;
	v6 =	vld [tilespmem:$0x1FE90];
	_ =	sdelay $0x3  }
0x131: {  	v13 =	vld.idx.msk [tilespmem:v28+s16+$0x0], $0xffff  }
0x132: {  	v4 =	vld.idx.msk [tilespmem:v52+s15+$0x0], $0xffff;
	v6 =	vmul.f32 v23, v6  }
0x133: {  	v59 =	vor.u32 $0x1E, v2;
	v26 =	vld [tilespmem:$0x1FEC0]  }
0x134: {  	v63 =	vor.u32 $0x1F, v2;
	v5 =	vadd.f32 v6, v5;
	v6 =	vld [tilespmem:$0x1FEB0]  }
0x135: {  	v8 =	vld.idx.msk [tilespmem:v52+s16+$0x0], $0xffff  }
0x136: {  	v35 =	vld.idx.msk [tilespmem:v28+s15+$0x0], $0xffff  }
0x137: {  	v28 =	vld [tilespmem:$0x1FEE0]  }
0x138: {  	v24 =	vld.idx.msk [tilespmem:v59+s16+$0x0], $0xffff;
	v10 =	vor.u32 $0x20, v2  }
0x139: {  	v25 =	vld.idx.msk [tilespmem:v63+s15+$0x0], $0xffff;
	v6 =	vmul.f32 v26, v6  }
0x13a: {  	v11 =	vld.idx.msk [tilespmem:v59+s15+$0x0], $0xffff;
	v4 =	vmul.f32 v8, v4;
	v8 =	vor.u32 $0x21, v2  }
0x13b: {  	v5 =	vadd.f32 v6, v5;
	v6 =	vld [tilespmem:$0x1FED0]  }
0x13c: {  	v16 =	vld.idx.msk [tilespmem:v63+s16+$0x0], $0xffff;
	v7 =	vmul.f32 v61, v7;
	v17 =	vadd.f32 v4, v27  }
0x13d: {  	v30 =	vld.idx.msk [tilespmem:v10+s15+$0x0], $0xffff  }
0x13e: {  	v10 =	vld.idx.msk [tilespmem:v10+s16+$0x0], $0xffff;
	v9 =	vmul.f32 v22, v9;
	v7 =	vadd.f32 v7, v17  }
0x13f: {  	v33 =	vld.idx.msk [tilespmem:v8+s15+$0x0], $0xffff  }
0x140: {  	v8 =	vld.idx.msk [tilespmem:v8+s16+$0x0], $0xffff;
	v7 =	vadd.f32 v9, v7;
	v9 =	vmul.f32 v24, v11;
	v6 =	vmul.f32 v28, v6  }
0x141: {  	v32 =	vld [tilespmem:$0x1FF00]  }
0x142: {  	v7 =	vadd.f32 v9, v7;
	v9 =	vmul.f32 v16, v25;
	v5 =	vadd.f32 v6, v5;
	v6 =	vld [tilespmem:$0x1FEF0];
	_ =	sdelay $0x1  }
0x143: {  	v7 =	vadd.f32 v9, v7;
	v9 =	vmul.f32 v10, v30  }
0x144: {  	v31 =	vor.u32 $0x23, v2  }
0x145: {  	v36 =	vor.u32 $0x25, v2;
	v8 =	vmul.f32 v8, v33;
	v7 =	vadd.f32 v9, v7  }
0x146: {  	v39 =	vor.u32 $0x26, v2;
	v6 =	vmul.f32 v32, v6  }
0x147: {  	v7 =	vadd.f32 v8, v7;
	v8 =	vmul.f32 v13, v35;
	v35 =	vld [tilespmem:$0x1FF20]  }
0x148: {  	v54 =	vor.u32 $0x2B, v2;
	v5 =	vadd.f32 v6, v5;
	v6 =	vld [tilespmem:$0x1FF10]  }
0x149: {  	v38 =	vld.idx.msk [tilespmem:v31+s15+$0x0], $0xffff  }
0x14a: {  	v43 =	vld.idx.msk [tilespmem:v36+s15+$0x0], $0xffff  }
0x14b: {  	v47 =	vld.idx.msk [tilespmem:v39+s15+$0x0], $0xffff  }
0x14c: {  	v44 =	vld.idx.msk [tilespmem:v36+s16+$0x0], $0xffff  }
0x14d: {  	v45 =	vor.u32 $0x28, v2;
	v61 =	vld.idx.msk [tilespmem:v54+s15+$0x0], $0xffff;
	v6 =	vmul.f32 v35, v6  }
0x14e: {  	v37 =	vld [tilespmem:$0x1FF40]  }
0x14f: {  	v11 =	vor.u32 $0x24, v2;
	v5 =	vadd.f32 v6, v5;
	v6 =	vld [tilespmem:$0x1FF30]  }
0x150: {  	v63 =	vld.idx.msk [tilespmem:v54+s16+$0x0], $0xffff  }
0x151: {  	v54 =	vld [tilespmem:$0x1FFF0]  }
0x152: {  	v48 =	vor.u32 $0x29, v2;
	v53 =	vld.idx.msk [tilespmem:v45+s16+$0x0], $0xffff  }
0x153: {  	v10 =	vld.idx.msk [tilespmem:v31+s16+$0x0], $0xffff  }
0x154: {  	v41 =	vld.idx.msk [tilespmem:v11+s15+$0x0], $0xffff;
	v6 =	vmul.f32 v37, v6  }
0x155: {  	v9 =	vld.idx.msk [tilespmem:v11+s16+$0x0], $0xffff;
	v11 =	vor.u32 $0x27, v2  }
0x156: {  	v5 =	vadd.f32 v6, v5;
	v6 =	vld [tilespmem:$0x1FF50]  }
0x157: {  	v56 =	vld.idx.msk [tilespmem:v48+s15+$0x0], $0xffff  }
0x158: {  	v52 =	vld.idx.msk [tilespmem:v45+s15+$0x0], $0xffff;
	v7 =	vadd.f32 v8, v7;
	v8 =	vmul.f32 v10, v38  }
0x159: {  	v10 =	vld.idx.msk [tilespmem:v39+s16+$0x0], $0xffff  }
0x15a: {  	v57 =	vor.u32 $0x2C, v2;
	v50 =	vld.idx.msk [tilespmem:v11+s15+$0x0], $0xffff;
	v7 =	vadd.f32 v8, v7;
	v8 =	vmul.f32 v9, v41  }
0x15b: {  	v22 =	vor.u32 $0x2E, v2;
	v9 =	vld.idx.msk [tilespmem:v11+s16+$0x0], $0xffff;
	v6 =	vmul.f32 v62, v6  }
0x15c: {  	v7 =	vadd.f32 v8, v7;
	v8 =	vmul.f32 v44, v43;
	v43 =	vld [tilespmem:$0x1FF70]  }
0x15d: {  	v11 =	vor.u32 $0x2A, v2;
	v5 =	vadd.f32 v6, v5;
	v6 =	vld [tilespmem:$0x1FF60]  }
0x15e: {  	v45 =	vld [tilespmem:$0x1FF90]  }
0x15f: {  	v24 =	vld.idx.msk [tilespmem:v57+s15+$0x0], $0xffff  }
0x160: {  	v25 =	vor.u32 $0x2F, v2;
	v30 =	vld.idx.msk [tilespmem:v22+s16+$0x0], $0xffff  }
0x161: {  	v31 =	vor.u32 $0x31, v2;
	v7 =	vadd.f32 v8, v7;
	v8 =	vmul.f32 v10, v47;
	v10 =	vld.idx.msk [tilespmem:v48+s16+$0x0], $0xffff  }
0x162: {  	v59 =	vld.idx.msk [tilespmem:v11+s15+$0x0], $0xffff;
	v6 =	vmul.f32 v43, v6  }
0x163: {  	v7 =	vadd.f32 v8, v7;
	v8 =	vmul.f32 v9, v50;
	v9 =	vld.idx.msk [tilespmem:v11+s16+$0x0], $0xffff;
	v11 =	vor.u32 $0x2D, v2  }
0x164: {  	v5 =	vadd.f32 v6, v5;
	v6 =	vld [tilespmem:$0x1FF80]  }
0x165: {  	v33 =	vld.idx.msk [tilespmem:v25+s15+$0x0], $0xffff;
	v7 =	vadd.f32 v8, v7;
	v8 =	vmul.f32 v53, v52  }
0x166: {  	v38 =	vld.idx.msk [tilespmem:v31+s15+$0x0], $0xffff  }
0x167: {  	v7 =	vadd.f32 v8, v7;
	v8 =	vmul.f32 v10, v56;
	v10 =	vld.idx.msk [tilespmem:v57+s16+$0x0], $0xffff  }
0x168: {  	v27 =	vld.idx.msk [tilespmem:v11+s15+$0x0], $0xffff  }
0x169: {  	v7 =	vadd.f32 v8, v7;
	v8 =	vmul.f32 v9, v59;
	v9 =	vld.idx.msk [tilespmem:v11+s16+$0x0], $0xffff;
	v6 =	vmul.f32 v45, v6  }
0x16a: {  	v11 =	vor.u32 $0x30, v2;
	v49 =	vld [tilespmem:$0x1FFB0]  }
0x16b: {  	v7 =	vadd.f32 v8, v7;
	v8 =	vmul.f32 v63, v61;
	v5 =	vadd.f32 v6, v5;
	v6 =	vld [tilespmem:$0x1FFA0]  }
0x16c: {  	v29 =	vld.idx.msk [tilespmem:v22+s15+$0x0], $0xffff  }
0x16d: {  	v39 =	vld.idx.msk [tilespmem:v31+s16+$0x0], $0xffff;
	v7 =	vadd.f32 v8, v7;
	v8 =	vmul.f32 v10, v24  }
0x16e: {  	v10 =	vld.idx.msk [tilespmem:v25+s16+$0x0], $0xffff;
	v34 =	vor.u32 $0x32, v2  }
0x16f: {  	v36 =	vld.idx.msk [tilespmem:v11+s15+$0x0], $0xffff;
	v7 =	vadd.f32 v8, v7;
	v8 =	vmul.f32 v9, v27  }
0x170: {  	v9 =	vld.idx.msk [tilespmem:v11+s16+$0x0], $0xffff;
	v11 =	vor.u32 $0x33, v2;
	v6 =	vmul.f32 v49, v6  }
0x171: {  	v52 =	vld [tilespmem:$0x1FFD0];
	v7 =	vadd.f32 v8, v7;
	v8 =	vmul.f32 v30, v29  }
0x172: {  	v40 =	vor.u32 $0x34, v2;
	v5 =	vadd.f32 v6, v5;
	v6 =	vld [tilespmem:$0x1FFC0]  }
0x173: {  	v7 =	vadd.f32 v8, v7;
	v8 =	vmul.f32 v10, v33;
	v41 =	vld.idx.msk [tilespmem:v34+s15+$0x0], $0xffff  }
0x174: {  	v10 =	vld.idx.msk [tilespmem:v34+s16+$0x0], $0xffff  }
0x175: {  	v44 =	vld.idx.msk [tilespmem:v11+s15+$0x0], $0xffff;
	v7 =	vadd.f32 v8, v7;
	v8 =	vmul.f32 v9, v36;
	v42 =	vor.u32 $0x35, v2  }
0x176: {  	v9 =	vld.idx.msk [tilespmem:v11+s16+$0x0], $0xffff;
	v11 =	vor.u32 $0x36, v2  }
0x177: {  	v7 =	vadd.f32 v8, v7;
	v8 =	vmul.f32 v39, v38;
	v47 =	vld.idx.msk [tilespmem:v40+s16+$0x0], $0xffff;
	v6 =	vmul.f32 v52, v6  }
0x178: {  	v46 =	vld.idx.msk [tilespmem:v40+s15+$0x0], $0xffff  }
0x179: {  	v7 =	vadd.f32 v8, v7;
	v8 =	vmul.f32 v10, v41;
	v5 =	vadd.f32 v6, v5;
	v6 =	vld [tilespmem:$0x1FFE0]  }
0x17a: {  	v50 =	vld.idx.msk [tilespmem:v42+s15+$0x0], $0xffff  }
0x17b: {  	v48 =	vor.u32 $0x37, v2;
	v7 =	vadd.f32 v8, v7;
	v8 =	vmul.f32 v9, v44;
	v10 =	vld.idx.msk [tilespmem:v42+s16+$0x0], $0xffff  }
0x17c: {  	v53 =	vld.idx.msk [tilespmem:v11+s15+$0x0], $0xffff  }
0x17d: {  	v9 =	vld.idx.msk [tilespmem:v11+s16+$0x0], $0xffff;
	v11 =	vor.u32 $0x39, v2;
	v7 =	vadd.f32 v8, v7;
	v8 =	vmul.f32 v47, v46  }
0x17e: {  	v1 =	vld [tilespmem:s23+$0x0];
	v6 =	vmul.f32 v54, v6  }
0x17f: {  	v4 =	vld [tilespmem:s25+$0x0];
	v7 =	vadd.f32 v8, v7;
	v51 =	vor.u32 $0x38, v2  }
0x180: {  	v56 =	vld.idx.msk [tilespmem:v48+s16+$0x0], $0xffff;
	v8 =	vmul.f32 v10, v50;
	v5 =	vadd.f32 v6, v5;
	v6 =	vmul.f32 v21, v19  }
0x181: {  	v3 =	vld [tilespmem:s24+$0x0];
	v59 =	vor.u32 $0x3B, v2  }
0x182: {  	v7 =	vadd.f32 v8, v7;
	v8 =	vmul.f32 v9, v53;
	v9 =	vld.idx.msk [tilespmem:v11+s16+$0x0], $0xffff;
	v5 =	vadd.f32 v6, v5  }
0x183: {  	v57 =	vor.u32 $0x3A, v2;
	v55 =	vld.idx.msk [tilespmem:v48+s15+$0x0], $0xffff  }
0x184: {  	v10 =	vld.idx.msk [tilespmem:v51+s16+$0x0], $0xffff;
	v4 =	vadd.f32 v5, v4  }
0x185: {  	v58 =	vld.idx.msk [tilespmem:v51+s15+$0x0], $0xffff  }
0x186: {  	v6 =	vld.idx.msk [tilespmem:v11+s15+$0x0], $0xffff;
	v11 =	vor.u32 $0x3C, v2;
	v3 =	vadd.f32 v4, v3  }
0x187: {  	v61 =	vor.u32 $0x3D, v2;
	v14 =	vld.idx.msk [tilespmem:v59+s16+$0x0], $0xffff  }
0x188: {  	v60 =	vld.idx.msk [tilespmem:v57+s15+$0x0], $0xffff;
	v5 =	vadd.f32 v8, v7;
	v7 =	vmul.f32 v56, v55;
	v1 =	vmul.f32 v3, v1  }
0x189: {  	v63 =	vor.u32 $0x3E, v2;
	v8 =	vld.idx.msk [tilespmem:v57+s16+$0x0], $0xffff  }
0x18a: {  	v62 =	vld.idx.msk [tilespmem:v59+s15+$0x0], $0xffff;
	v4 =	vadd.f32 v7, v5;
	v7 =	vmul.f32 v10, v58;
	v1 =	vmul.f32 v1, v3  }
0x18b: {  	v5 =	vld.idx.msk [tilespmem:v11+s15+$0x0], $0xffff;
	v6 =	vmul.f32 v9, v6;
	v9 =	vimm.f32 $0.0e+00  }
0x18c: {  	v4 =	vadd.f32 v7, v4;
	v7 =	vld.idx.msk [tilespmem:v11+s16+$0x0], $0xffff;
	v1 =	vadd.f32 v1, v9;
	v9 =	vor.u32 $0x3F, v2  }
0x18d: {  	v3 =	vld.idx.msk [tilespmem:v61+s15+$0x0], $0xffff  }
0x18e: {  	s31 =	simm.s32 $0x20;
	v8 =	vmul.f32 v8, v60;
	v10 =	vadd.f32 v6, v4;
	v6 =	vld.idx.msk [tilespmem:v61+s16+$0x0], $0xffff  }
0x18f: {  	v4 =	vld.idx.msk [tilespmem:v63+s15+$0x0], $0xffff;
	v2 =	vmov s31  }
0x190: {  	s26 =	simm.s32 $0x30;
	v11 =	vmul.f32 v14, v62;
	v10 =	vadd.f32 v8, v10;
	v8 =	vld.idx.msk [tilespmem:v63+s16+$0x0], $0xffff;
	v2 =	vshll.u32 v2, $0x6  }
.LBB2_2:
0x191: {  	p1 =	sne.s32 s26, $0x1F0;
	v2 =	vor.u32 v0, v2;
	v12 =	vld.idx.msk [tilespmem:v9+s15+$0x0], $0xffff  }
0x192: {  	v5 =	vmul.f32 v7, v5;
	s23 =	sadd.s32 $0x10, s23;
	v10 =	vadd.f32 v11, v10;
	v7 =	vld.idx.msk [tilespmem:v9+s16+$0x0], $0xffff  }
0x193: {  	s24 =	sadd.s32 $0x10, s24;
	v9 =	vor.u32 $0x1, v2;
	v11 =	vld [tilespmem:s23+$0x0]  }
0x194: {  	s25 =	sadd.s32 $0x10, s25;
	v3 =	vmul.f32 v6, v3;
	v5 =	vadd.f32 v5, v10;
	v6 =	vld [tilespmem:s24+$0x0]  }
0x195: {  	v10 =	vor.u32 $0x2, v2;
	v13 =	vld [tilespmem:s25+$0x0]  }
0x196: {  	v4 =	vmul.f32 v8, v4;
	v14 =	vld.idx.msk [tilespmem:v2+s15+$0x0], $0xffff;
	v3 =	vadd.f32 v3, v5  }
0x197: {  	v8 =	vor.u32 $0x3, v2;
	v5 =	vld.idx.msk [tilespmem:v2+s16+$0x0], $0xffff  }
0x198: {  	v15 =	vld.idx.msk [tilespmem:v9+s15+$0x0], $0xffff;
	v3 =	vadd.f32 v4, v3;
	v4 =	vmul.f32 v7, v12  }
0x199: {  	v7 =	vld.idx.msk [tilespmem:v9+s16+$0x0], $0xffff;
	v9 =	vor.u32 $0x4, v2  }
0x19a: {  	v12 =	vld.idx.msk [tilespmem:v10+s15+$0x0], $0xffff;
	v3 =	vadd.f32 v4, v3  }
0x19b: {  	v4 =	vld.idx.msk [tilespmem:v10+s16+$0x0], $0xffff;
	v10 =	vor.u32 $0x5, v2  }
0x19c: {  	v16 =	vld.idx.msk [tilespmem:v8+s15+$0x0], $0xffff;
	v3 =	vadd.f32 v3, v13  }
0x19d: {  	v5 =	vmul.f32 v5, v14;
	v13 =	vor.u32 $0x6, v2;
	v8 =	vld.idx.msk [tilespmem:v8+s16+$0x0], $0xffff  }
0x19e: {  	v14 =	vld.idx.msk [tilespmem:v9+s15+$0x0], $0xffff;
	v3 =	vadd.f32 v3, v6  }
0x19f: {  	v5 =	vadd.f32 $0.0e+00, v5;
	v6 =	vmul.f32 v7, v15;
	v7 =	vld.idx.msk [tilespmem:v9+s16+$0x0], $0xffff;
	v9 =	vor.u32 $0x7, v2  }
0x1a0: {  	v15 =	vld.idx.msk [tilespmem:v10+s15+$0x0], $0xffff;
	v11 =	vmul.f32 v3, v11  }
0x1a1: {  	v5 =	vadd.f32 v6, v5;
	v4 =	vmul.f32 v4, v12;
	v6 =	vld.idx.msk [tilespmem:v10+s16+$0x0], $0xffff;
	v10 =	vor.u32 $0x8, v2  }
0x1a2: {  	v12 =	vld.idx.msk [tilespmem:v13+s15+$0x0], $0xffff;
	v3 =	vmul.f32 v11, v3  }
0x1a3: {  	v4 =	vadd.f32 v4, v5;
	v5 =	vmul.f32 v8, v16;
	v11 =	vor.u32 $0x9, v2;
	v8 =	vld.idx.msk [tilespmem:v13+s16+$0x0], $0xffff  }
0x1a4: {  	v13 =	vld.idx.msk [tilespmem:v9+s15+$0x0], $0xffff;
	v1 =	vadd.f32 v3, v1  }
0x1a5: {  	v3 =	vadd.f32 v5, v4;
	v4 =	vmul.f32 v7, v14;
	v7 =	vor.u32 $0xA, v2;
	v5 =	vld.idx.msk [tilespmem:v9+s16+$0x0], $0xffff  }
0x1a6: {  	v9 =	vld.idx.msk [tilespmem:v10+s15+$0x0], $0xffff  }
0x1a7: {  	v3 =	vadd.f32 v4, v3;
	v4 =	vmul.f32 v6, v15;
	v6 =	vld.idx.msk [tilespmem:v10+s16+$0x0], $0xffff;
	v10 =	vor.u32 $0xB, v2  }
0x1a8: {  	v14 =	vld.idx.msk [tilespmem:v11+s15+$0x0], $0xffff  }
0x1a9: {  	v3 =	vadd.f32 v4, v3;
	v4 =	vmul.f32 v8, v12;
	v8 =	vld.idx.msk [tilespmem:v11+s16+$0x0], $0xffff;
	v11 =	vor.u32 $0xC, v2  }
0x1aa: {  	v12 =	vld.idx.msk [tilespmem:v7+s15+$0x0], $0xffff  }
0x1ab: {  	v3 =	vadd.f32 v4, v3;
	v4 =	vmul.f32 v5, v13;
	v5 =	vld.idx.msk [tilespmem:v7+s16+$0x0], $0xffff;
	v7 =	vor.u32 $0xD, v2  }
0x1ac: {  	v13 =	vld.idx.msk [tilespmem:v10+s15+$0x0], $0xffff  }
0x1ad: {  	v3 =	vadd.f32 v4, v3;
	v4 =	vmul.f32 v6, v9;
	v9 =	vor.u32 $0xE, v2;
	v6 =	vld.idx.msk [tilespmem:v10+s16+$0x0], $0xffff  }
0x1ae: {  	v10 =	vld.idx.msk [tilespmem:v11+s15+$0x0], $0xffff  }
0x1af: {  	v3 =	vadd.f32 v4, v3;
	v4 =	vmul.f32 v8, v14;
	v8 =	vld.idx.msk [tilespmem:v11+s16+$0x0], $0xffff;
	v11 =	vor.u32 $0xF, v2  }
0x1b0: {  	v14 =	vld.idx.msk [tilespmem:v7+s15+$0x0], $0xffff  }
0x1b1: {  	v3 =	vadd.f32 v4, v3;
	v4 =	vmul.f32 v5, v12;
	v5 =	vld.idx.msk [tilespmem:v7+s16+$0x0], $0xffff;
	v7 =	vor.u32 $0x10, v2  }
0x1b2: {  	v12 =	vld.idx.msk [tilespmem:v9+s15+$0x0], $0xffff  }
0x1b3: {  	v3 =	vadd.f32 v4, v3;
	v4 =	vmul.f32 v6, v13;
	v6 =	vld.idx.msk [tilespmem:v9+s16+$0x0], $0xffff;
	v9 =	vor.u32 $0x11, v2  }
0x1b4: {  	v13 =	vld.idx.msk [tilespmem:v11+s15+$0x0], $0xffff  }
0x1b5: {  	v3 =	vadd.f32 v4, v3;
	v4 =	vmul.f32 v8, v10;
	v10 =	vor.u32 $0x12, v2;
	v8 =	vld.idx.msk [tilespmem:v11+s16+$0x0], $0xffff  }
0x1b6: {  	v11 =	vld.idx.msk [tilespmem:v7+s15+$0x0], $0xffff  }
0x1b7: {  	v3 =	vadd.f32 v4, v3;
	v4 =	vmul.f32 v5, v14;
	v5 =	vld.idx.msk [tilespmem:v7+s16+$0x0], $0xffff;
	v7 =	vor.u32 $0x13, v2  }
0x1b8: {  	v14 =	vld.idx.msk [tilespmem:v9+s15+$0x0], $0xffff  }
0x1b9: {  	v3 =	vadd.f32 v4, v3;
	v4 =	vmul.f32 v6, v12;
	v6 =	vld.idx.msk [tilespmem:v9+s16+$0x0], $0xffff;
	v9 =	vor.u32 $0x14, v2  }
0x1ba: {  	v12 =	vld.idx.msk [tilespmem:v10+s15+$0x0], $0xffff  }
0x1bb: {  	v3 =	vadd.f32 v4, v3;
	v4 =	vmul.f32 v8, v13;
	v8 =	vld.idx.msk [tilespmem:v10+s16+$0x0], $0xffff;
	v10 =	vor.u32 $0x15, v2  }
0x1bc: {  	v13 =	vld.idx.msk [tilespmem:v7+s15+$0x0], $0xffff  }
0x1bd: {  	v3 =	vadd.f32 v4, v3;
	v4 =	vmul.f32 v5, v11;
	v5 =	vld.idx.msk [tilespmem:v7+s16+$0x0], $0xffff;
	v7 =	vor.u32 $0x16, v2  }
0x1be: {  	v11 =	vld.idx.msk [tilespmem:v9+s15+$0x0], $0xffff  }
0x1bf: {  	v3 =	vadd.f32 v4, v3;
	v4 =	vmul.f32 v6, v14;
	v6 =	vld.idx.msk [tilespmem:v9+s16+$0x0], $0xffff;
	v9 =	vor.u32 $0x17, v2  }
0x1c0: {  	v14 =	vld.idx.msk [tilespmem:v10+s15+$0x0], $0xffff  }
0x1c1: {  	v3 =	vadd.f32 v4, v3;
	v4 =	vmul.f32 v8, v12;
	v8 =	vld.idx.msk [tilespmem:v10+s16+$0x0], $0xffff;
	v10 =	vor.u32 $0x18, v2  }
0x1c2: {  	v12 =	vld.idx.msk [tilespmem:v7+s15+$0x0], $0xffff  }
0x1c3: {  	v3 =	vadd.f32 v4, v3;
	v4 =	vmul.f32 v5, v13;
	v5 =	vld.idx.msk [tilespmem:v7+s16+$0x0], $0xffff;
	v7 =	vor.u32 $0x19, v2  }
0x1c4: {  	v13 =	vld.idx.msk [tilespmem:v9+s15+$0x0], $0xffff  }
0x1c5: {  	v3 =	vadd.f32 v4, v3;
	v4 =	vmul.f32 v6, v11;
	v6 =	vld.idx.msk [tilespmem:v9+s16+$0x0], $0xffff;
	v9 =	vor.u32 $0x1A, v2  }
0x1c6: {  	v11 =	vld.idx.msk [tilespmem:v10+s15+$0x0], $0xffff  }
0x1c7: {  	v3 =	vadd.f32 v4, v3;
	v4 =	vmul.f32 v8, v14;
	v8 =	vld.idx.msk [tilespmem:v10+s16+$0x0], $0xffff;
	v10 =	vor.u32 $0x1B, v2  }
0x1c8: {  	v14 =	vld.idx.msk [tilespmem:v7+s15+$0x0], $0xffff  }
0x1c9: {  	v3 =	vadd.f32 v4, v3;
	v4 =	vmul.f32 v5, v12;
	v5 =	vld.idx.msk [tilespmem:v7+s16+$0x0], $0xffff;
	v7 =	vor.u32 $0x1C, v2  }
0x1ca: {  	v12 =	vld.idx.msk [tilespmem:v9+s15+$0x0], $0xffff  }
0x1cb: {  	v3 =	vadd.f32 v4, v3;
	v4 =	vmul.f32 v6, v13;
	v6 =	vld.idx.msk [tilespmem:v9+s16+$0x0], $0xffff;
	v9 =	vor.u32 $0x1D, v2  }
0x1cc: {  	v13 =	vld.idx.msk [tilespmem:v10+s15+$0x0], $0xffff  }
0x1cd: {  	v3 =	vadd.f32 v4, v3;
	v4 =	vmul.f32 v8, v11;
	v8 =	vld.idx.msk [tilespmem:v10+s16+$0x0], $0xffff;
	v10 =	vor.u32 $0x1E, v2  }
0x1ce: {  	v11 =	vld.idx.msk [tilespmem:v7+s15+$0x0], $0xffff  }
0x1cf: {  	v3 =	vadd.f32 v4, v3;
	v4 =	vmul.f32 v5, v14;
	v5 =	vld.idx.msk [tilespmem:v7+s16+$0x0], $0xffff;
	v7 =	vor.u32 $0x1F, v2  }
0x1d0: {  	v14 =	vld.idx.msk [tilespmem:v9+s15+$0x0], $0xffff  }
0x1d1: {  	v3 =	vadd.f32 v4, v3;
	v4 =	vmul.f32 v6, v12;
	v6 =	vld.idx.msk [tilespmem:v9+s16+$0x0], $0xffff;
	v9 =	vor.u32 $0x20, v2  }
0x1d2: {  	v12 =	vld.idx.msk [tilespmem:v10+s15+$0x0], $0xffff  }
0x1d3: {  	v3 =	vadd.f32 v4, v3;
	v4 =	vmul.f32 v8, v13;
	v8 =	vld.idx.msk [tilespmem:v10+s16+$0x0], $0xffff;
	v10 =	vor.u32 $0x21, v2  }
0x1d4: {  	v13 =	vld.idx.msk [tilespmem:v7+s15+$0x0], $0xffff  }
0x1d5: {  	v3 =	vadd.f32 v4, v3;
	v4 =	vmul.f32 v5, v11;
	v5 =	vld.idx.msk [tilespmem:v7+s16+$0x0], $0xffff;
	v7 =	vor.u32 $0x22, v2  }
0x1d6: {  	v11 =	vld.idx.msk [tilespmem:v9+s15+$0x0], $0xffff  }
0x1d7: {  	v3 =	vadd.f32 v4, v3;
	v4 =	vmul.f32 v6, v14;
	v6 =	vld.idx.msk [tilespmem:v9+s16+$0x0], $0xffff;
	v9 =	vor.u32 $0x23, v2  }
0x1d8: {  	v14 =	vld.idx.msk [tilespmem:v10+s15+$0x0], $0xffff  }
0x1d9: {  	v3 =	vadd.f32 v4, v3;
	v4 =	vmul.f32 v8, v12;
	v8 =	vld.idx.msk [tilespmem:v10+s16+$0x0], $0xffff;
	v10 =	vor.u32 $0x24, v2  }
0x1da: {  	v12 =	vld.idx.msk [tilespmem:v7+s15+$0x0], $0xffff  }
0x1db: {  	v3 =	vadd.f32 v4, v3;
	v4 =	vmul.f32 v5, v13;
	v5 =	vld.idx.msk [tilespmem:v7+s16+$0x0], $0xffff;
	v7 =	vor.u32 $0x25, v2  }
0x1dc: {  	v13 =	vld.idx.msk [tilespmem:v9+s15+$0x0], $0xffff  }
0x1dd: {  	v3 =	vadd.f32 v4, v3;
	v4 =	vmul.f32 v6, v11;
	v6 =	vld.idx.msk [tilespmem:v9+s16+$0x0], $0xffff;
	v9 =	vor.u32 $0x26, v2  }
0x1de: {  	v11 =	vld.idx.msk [tilespmem:v10+s15+$0x0], $0xffff  }
0x1df: {  	v3 =	vadd.f32 v4, v3;
	v4 =	vmul.f32 v8, v14;
	v8 =	vld.idx.msk [tilespmem:v10+s16+$0x0], $0xffff;
	v10 =	vor.u32 $0x27, v2  }
0x1e0: {  	v14 =	vld.idx.msk [tilespmem:v7+s15+$0x0], $0xffff  }
0x1e1: {  	v3 =	vadd.f32 v4, v3;
	v4 =	vmul.f32 v5, v12;
	v5 =	vld.idx.msk [tilespmem:v7+s16+$0x0], $0xffff;
	v7 =	vor.u32 $0x28, v2  }
0x1e2: {  	v12 =	vld.idx.msk [tilespmem:v9+s15+$0x0], $0xffff  }
0x1e3: {  	v3 =	vadd.f32 v4, v3;
	v4 =	vmul.f32 v6, v13;
	v6 =	vld.idx.msk [tilespmem:v9+s16+$0x0], $0xffff;
	v9 =	vor.u32 $0x29, v2  }
0x1e4: {  	v13 =	vld.idx.msk [tilespmem:v10+s15+$0x0], $0xffff  }
0x1e5: {  	v3 =	vadd.f32 v4, v3;
	v4 =	vmul.f32 v8, v11;
	v8 =	vld.idx.msk [tilespmem:v10+s16+$0x0], $0xffff;
	v10 =	vor.u32 $0x2A, v2  }
0x1e6: {  	v11 =	vld.idx.msk [tilespmem:v7+s15+$0x0], $0xffff  }
0x1e7: {  	v3 =	vadd.f32 v4, v3;
	v4 =	vmul.f32 v5, v14;
	v5 =	vld.idx.msk [tilespmem:v7+s16+$0x0], $0xffff;
	v7 =	vor.u32 $0x2B, v2  }
0x1e8: {  	v14 =	vld.idx.msk [tilespmem:v9+s15+$0x0], $0xffff  }
0x1e9: {  	v3 =	vadd.f32 v4, v3;
	v4 =	vmul.f32 v6, v12;
	v6 =	vld.idx.msk [tilespmem:v9+s16+$0x0], $0xffff;
	v9 =	vor.u32 $0x2C, v2  }
0x1ea: {  	v12 =	vld.idx.msk [tilespmem:v10+s15+$0x0], $0xffff  }
0x1eb: {  	v3 =	vadd.f32 v4, v3;
	v4 =	vmul.f32 v8, v13;
	v8 =	vld.idx.msk [tilespmem:v10+s16+$0x0], $0xffff;
	v10 =	vor.u32 $0x2D, v2  }
0x1ec: {  	v13 =	vld.idx.msk [tilespmem:v7+s15+$0x0], $0xffff  }
0x1ed: {  	v3 =	vadd.f32 v4, v3;
	v4 =	vmul.f32 v5, v11;
	v5 =	vld.idx.msk [tilespmem:v7+s16+$0x0], $0xffff;
	v7 =	vor.u32 $0x2E, v2  }
0x1ee: {  	v11 =	vld.idx.msk [tilespmem:v9+s15+$0x0], $0xffff  }
0x1ef: {  	v3 =	vadd.f32 v4, v3;
	v4 =	vmul.f32 v6, v14;
	v6 =	vld.idx.msk [tilespmem:v9+s16+$0x0], $0xffff;
	v9 =	vor.u32 $0x2F, v2  }
0x1f0: {  	v14 =	vld.idx.msk [tilespmem:v10+s15+$0x0], $0xffff  }
0x1f1: {  	v3 =	vadd.f32 v4, v3;
	v4 =	vmul.f32 v8, v12;
	v8 =	vld.idx.msk [tilespmem:v10+s16+$0x0], $0xffff;
	v10 =	vor.u32 $0x30, v2  }
0x1f2: {  	v12 =	vld.idx.msk [tilespmem:v7+s15+$0x0], $0xffff  }
0x1f3: {  	v3 =	vadd.f32 v4, v3;
	v4 =	vmul.f32 v5, v13;
	v5 =	vld.idx.msk [tilespmem:v7+s16+$0x0], $0xffff;
	v7 =	vor.u32 $0x31, v2  }
0x1f4: {  	v13 =	vld.idx.msk [tilespmem:v9+s15+$0x0], $0xffff  }
0x1f5: {  	v3 =	vadd.f32 v4, v3;
	v4 =	vmul.f32 v6, v11;
	v6 =	vld.idx.msk [tilespmem:v9+s16+$0x0], $0xffff;
	v9 =	vor.u32 $0x32, v2  }
0x1f6: {  	v11 =	vld.idx.msk [tilespmem:v10+s15+$0x0], $0xffff  }
0x1f7: {  	v3 =	vadd.f32 v4, v3;
	v4 =	vmul.f32 v8, v14;
	v8 =	vld.idx.msk [tilespmem:v10+s16+$0x0], $0xffff;
	v10 =	vor.u32 $0x33, v2  }
0x1f8: {  	v14 =	vld.idx.msk [tilespmem:v7+s15+$0x0], $0xffff  }
0x1f9: {  	v3 =	vadd.f32 v4, v3;
	v4 =	vmul.f32 v5, v12;
	v5 =	vld.idx.msk [tilespmem:v7+s16+$0x0], $0xffff;
	v7 =	vor.u32 $0x34, v2  }
0x1fa: {  	v12 =	vld.idx.msk [tilespmem:v9+s15+$0x0], $0xffff  }
0x1fb: {  	v3 =	vadd.f32 v4, v3;
	v4 =	vmul.f32 v6, v13;
	v6 =	vld.idx.msk [tilespmem:v9+s16+$0x0], $0xffff;
	v9 =	vor.u32 $0x35, v2  }
0x1fc: {  	v13 =	vld.idx.msk [tilespmem:v10+s15+$0x0], $0xffff  }
0x1fd: {  	v3 =	vadd.f32 v4, v3;
	v4 =	vmul.f32 v8, v11;
	v8 =	vld.idx.msk [tilespmem:v10+s16+$0x0], $0xffff;
	v10 =	vor.u32 $0x36, v2  }
0x1fe: {  	v11 =	vld.idx.msk [tilespmem:v7+s15+$0x0], $0xffff  }
0x1ff: {  	v3 =	vadd.f32 v4, v3;
	v4 =	vmul.f32 v5, v14;
	v5 =	vld.idx.msk [tilespmem:v7+s16+$0x0], $0xffff;
	v7 =	vor.u32 $0x37, v2  }
0x200: {  	v14 =	vld.idx.msk [tilespmem:v9+s15+$0x0], $0xffff  }
0x201: {  	v3 =	vadd.f32 v4, v3;
	v4 =	vmul.f32 v6, v12;
	v6 =	vld.idx.msk [tilespmem:v9+s16+$0x0], $0xffff;
	v9 =	vor.u32 $0x38, v2  }
0x202: {  	v12 =	vld.idx.msk [tilespmem:v10+s15+$0x0], $0xffff  }
0x203: {  	v3 =	vadd.f32 v4, v3;
	v4 =	vmul.f32 v8, v13;
	v8 =	vld.idx.msk [tilespmem:v10+s16+$0x0], $0xffff;
	v10 =	vor.u32 $0x39, v2  }
0x204: {  	v13 =	vld.idx.msk [tilespmem:v7+s15+$0x0], $0xffff  }
0x205: {  	v3 =	vadd.f32 v4, v3;
	v4 =	vmul.f32 v5, v11;
	v5 =	vld.idx.msk [tilespmem:v7+s16+$0x0], $0xffff;
	v7 =	vor.u32 $0x3A, v2  }
0x206: {  	v11 =	vld.idx.msk [tilespmem:v9+s15+$0x0], $0xffff  }
0x207: {  	v3 =	vadd.f32 v4, v3;
	v4 =	vmul.f32 v6, v14;
	v6 =	vld.idx.msk [tilespmem:v9+s16+$0x0], $0xffff;
	v9 =	vor.u32 $0x3B, v2  }
0x208: {  	v14 =	vld.idx.msk [tilespmem:v10+s15+$0x0], $0xffff  }
0x209: {  	v3 =	vadd.f32 v4, v3;
	v4 =	vmul.f32 v8, v12;
	v8 =	vld.idx.msk [tilespmem:v10+s16+$0x0], $0xffff;
	v10 =	vor.u32 $0x3C, v2  }
0x20a: {  	v12 =	vld.idx.msk [tilespmem:v7+s15+$0x0], $0xffff  }
0x20b: {  	v15 =	vor.u32 $0x3D, v2;
	v3 =	vadd.f32 v4, v3;
	v4 =	vmul.f32 v5, v13;
	v13 =	vld.idx.msk [tilespmem:v7+s16+$0x0], $0xffff  }
0x20c: {  	v16 =	vld.idx.msk [tilespmem:v9+s15+$0x0], $0xffff  }
0x20d: {  	v17 =	vor.u32 $0x3E, v2;
	v3 =	vadd.f32 v4, v3;
	v4 =	vmul.f32 v6, v11;
	v11 =	vld.idx.msk [tilespmem:v9+s16+$0x0], $0xffff  }
0x20e: {  	v5 =	vld.idx.msk [tilespmem:v10+s15+$0x0], $0xffff  }
.Ltmp0:
0x20f: {  	v9 =	vor.u32 $0x3F, v2;
	v4 =	vadd.f32 v4, v3;
	v6 =	vmul.f32 v8, v14;
	v7 =	vld.idx.msk [tilespmem:v10+s16+$0x0], $0xffff;
	(pc) =	sbr.rel @p1 .LBB2_2-.Ltmp0, $4  }
0x210: {  	v3 =	vld.idx.msk [tilespmem:v15+s15+$0x0], $0xffff  }
0x211: {  	v8 =	vadd.f32 v6, v4;
	v10 =	vmul.f32 v13, v12;
	v6 =	vld.idx.msk [tilespmem:v15+s16+$0x0], $0xffff  }
0x212: {  	v2 =	vmov s26;
	v4 =	vld.idx.msk [tilespmem:v17+s15+$0x0], $0xffff  }
0x213: {  	s26 =	sadd.s32 $0x10, s26;
	v2 =	vshll.u32 v2, $0x6;
	v10 =	vadd.f32 v10, v8;
	v11 =	vmul.f32 v11, v16;
	v8 =	vld.idx.msk [tilespmem:v17+s16+$0x0], $0xffff  }
0x214: {  	_ = 	snop  }
0x215: {  	v12 =	vor.u32 v0, v2;
	_ =	sdelay $0x1  }
0x216: {  	v13 =	vor.u32 $0x1, v12  }
0x217: {  	v2 =	vld.idx.msk [tilespmem:v9+s15+$0x0], $0xffff  }
0x218: {  	v9 =	vld.idx.msk [tilespmem:v9+s16+$0x0], $0xffff;
	v14 =	vor.u32 $0x2, v12  }
0x219: {  	v15 =	vld.idx.msk [tilespmem:v12+s15+$0x0], $0xffff  }
0x21a: {  	v17 =	vor.u32 $0x3, v12;
	v16 =	vld.idx.msk [tilespmem:v12+s16+$0x0], $0xffff  }
0x21b: {  	v18 =	vld.idx.msk [tilespmem:v13+s15+$0x0], $0xffff  }
0x21c: {  	v19 =	vor.u32 $0x4, v12;
	v13 =	vld.idx.msk [tilespmem:v13+s16+$0x0], $0xffff  }
0x21d: {  	v20 =	vld.idx.msk [tilespmem:v14+s15+$0x0], $0xffff  }
0x21e: {  	v21 =	vor.u32 $0x5, v12;
	v14 =	vld.idx.msk [tilespmem:v14+s16+$0x0], $0xffff  }
0x21f: {  	v22 =	vld.idx.msk [tilespmem:v17+s15+$0x0], $0xffff;
	v15 =	vmul.f32 v16, v15  }
0x220: {  	v38 =	vor.u32 $0x6, v12;
	v37 =	vld.idx.msk [tilespmem:v17+s16+$0x0], $0xffff  }
0x221: {  	v23 =	vld.idx.msk [tilespmem:v19+s15+$0x0], $0xffff;
	v13 =	vmul.f32 v13, v18;
	v15 =	vadd.f32 $0.0e+00, v15  }
0x222: {  	v40 =	vor.u32 $0x7, v12;
	v39 =	vld.idx.msk [tilespmem:v19+s16+$0x0], $0xffff  }
0x223: {  	v41 =	vld.idx.msk [tilespmem:v21+s15+$0x0], $0xffff;
	v14 =	vmul.f32 v14, v20;
	v13 =	vadd.f32 v13, v15  }
0x224: {  	v43 =	vor.u32 $0x8, v12;
	v42 =	vld.idx.msk [tilespmem:v21+s16+$0x0], $0xffff  }
0x225: {  	v44 =	vld.idx.msk [tilespmem:v38+s15+$0x0], $0xffff;
	v16 =	vmul.f32 v37, v22;
	v13 =	vadd.f32 v14, v13  }
0x226: {  	v45 =	vor.u32 $0x9, v12;
	v17 =	vld.idx.msk [tilespmem:v38+s16+$0x0], $0xffff  }
0x227: {  	v46 =	vld.idx.msk [tilespmem:v40+s15+$0x0], $0xffff;
	v18 =	vmul.f32 v39, v23;
	v13 =	vadd.f32 v16, v13  }
0x228: {  	v47 =	vor.u32 $0xA, v12;
	v19 =	vld.idx.msk [tilespmem:v40+s16+$0x0], $0xffff  }
0x229: {  	v48 =	vld.idx.msk [tilespmem:v43+s15+$0x0], $0xffff;
	v15 =	vmul.f32 v42, v41;
	v13 =	vadd.f32 v18, v13  }
0x22a: {  	v50 =	vor.u32 $0xB, v12;
	v49 =	vld.idx.msk [tilespmem:v43+s16+$0x0], $0xffff  }
0x22b: {  	v51 =	vld.idx.msk [tilespmem:v45+s15+$0x0], $0xffff;
	v14 =	vmul.f32 v17, v44;
	v13 =	vadd.f32 v15, v13  }
0x22c: {  	v53 =	vor.u32 $0xC, v12;
	v52 =	vld.idx.msk [tilespmem:v45+s16+$0x0], $0xffff  }
0x22d: {  	v54 =	vld.idx.msk [tilespmem:v47+s15+$0x0], $0xffff;
	v16 =	vmul.f32 v19, v46;
	v13 =	vadd.f32 v14, v13  }
0x22e: {  	v56 =	vor.u32 $0xD, v12;
	v55 =	vld.idx.msk [tilespmem:v47+s16+$0x0], $0xffff  }
0x22f: {  	v57 =	vld.idx.msk [tilespmem:v50+s15+$0x0], $0xffff;
	v18 =	vmul.f32 v49, v48;
	v13 =	vadd.f32 v16, v13  }
0x230: {  	v59 =	vor.u32 $0xE, v12;
	v58 =	vld.idx.msk [tilespmem:v50+s16+$0x0], $0xffff  }
0x231: {  	v60 =	vld.idx.msk [tilespmem:v53+s15+$0x0], $0xffff;
	v15 =	vmul.f32 v52, v51;
	v13 =	vadd.f32 v18, v13  }
0x232: {  	v62 =	vor.u32 $0xF, v12;
	v61 =	vld.idx.msk [tilespmem:v53+s16+$0x0], $0xffff  }
0x233: {  	v63 =	vld.idx.msk [tilespmem:v56+s15+$0x0], $0xffff;
	v14 =	vmul.f32 v55, v54;
	v13 =	vadd.f32 v15, v13  }
0x234: {  	v25 =	vor.u32 $0x10, v12;
	v24 =	vld.idx.msk [tilespmem:v56+s16+$0x0], $0xffff  }
0x235: {  	v26 =	vld.idx.msk [tilespmem:v59+s15+$0x0], $0xffff;
	v16 =	vmul.f32 v58, v57;
	v13 =	vadd.f32 v14, v13  }
0x236: {  	v28 =	vor.u32 $0x11, v12;
	v27 =	vld.idx.msk [tilespmem:v59+s16+$0x0], $0xffff  }
0x237: {  	v29 =	vld.idx.msk [tilespmem:v62+s15+$0x0], $0xffff;
	v17 =	vmul.f32 v61, v60;
	v13 =	vadd.f32 v16, v13  }
0x238: {  	v31 =	vor.u32 $0x12, v12;
	v30 =	vld.idx.msk [tilespmem:v62+s16+$0x0], $0xffff  }
0x239: {  	v32 =	vld.idx.msk [tilespmem:v25+s15+$0x0], $0xffff;
	v15 =	vmul.f32 v24, v63;
	v13 =	vadd.f32 v17, v13  }
0x23a: {  	v34 =	vor.u32 $0x13, v12;
	v33 =	vld.idx.msk [tilespmem:v25+s16+$0x0], $0xffff  }
0x23b: {  	v35 =	vld.idx.msk [tilespmem:v28+s15+$0x0], $0xffff;
	v14 =	vmul.f32 v27, v26;
	v13 =	vadd.f32 v15, v13  }
0x23c: {  	v36 =	vld.idx.msk [tilespmem:v28+s16+$0x0], $0xffff;
	v37 =	vor.u32 $0x14, v12  }
0x23d: {  	v38 =	vld.idx.msk [tilespmem:v31+s15+$0x0], $0xffff;
	v16 =	vmul.f32 v30, v29;
	v13 =	vadd.f32 v14, v13  }
0x23e: {  	v40 =	vor.u32 $0x15, v12;
	v39 =	vld.idx.msk [tilespmem:v31+s16+$0x0], $0xffff  }
0x23f: {  	v41 =	vld.idx.msk [tilespmem:v34+s15+$0x0], $0xffff;
	v17 =	vmul.f32 v33, v32;
	v13 =	vadd.f32 v16, v13  }
0x240: {  	v43 =	vor.u32 $0x16, v12;
	v42 =	vld.idx.msk [tilespmem:v34+s16+$0x0], $0xffff  }
0x241: {  	v44 =	vld.idx.msk [tilespmem:v37+s15+$0x0], $0xffff;
	v15 =	vmul.f32 v36, v35;
	v13 =	vadd.f32 v17, v13  }
0x242: {  	v45 =	vld.idx.msk [tilespmem:v37+s16+$0x0], $0xffff;
	v46 =	vor.u32 $0x17, v12  }
0x243: {  	v47 =	vld.idx.msk [tilespmem:v40+s15+$0x0], $0xffff;
	v14 =	vmul.f32 v39, v38;
	v13 =	vadd.f32 v15, v13  }
0x244: {  	v48 =	vld.idx.msk [tilespmem:v40+s16+$0x0], $0xffff;
	v49 =	vor.u32 $0x18, v12  }
0x245: {  	v50 =	vld.idx.msk [tilespmem:v43+s15+$0x0], $0xffff;
	v16 =	vmul.f32 v42, v41;
	v13 =	vadd.f32 v14, v13  }
0x246: {  	v51 =	vld.idx.msk [tilespmem:v43+s16+$0x0], $0xffff;
	v52 =	vor.u32 $0x19, v12  }
0x247: {  	v53 =	vld.idx.msk [tilespmem:v46+s15+$0x0], $0xffff;
	v17 =	vmul.f32 v45, v44;
	v13 =	vadd.f32 v16, v13  }
0x248: {  	v54 =	vld.idx.msk [tilespmem:v46+s16+$0x0], $0xffff;
	v55 =	vor.u32 $0x1A, v12  }
0x249: {  	v56 =	vld.idx.msk [tilespmem:v49+s15+$0x0], $0xffff;
	v15 =	vmul.f32 v48, v47;
	v13 =	vadd.f32 v17, v13  }
0x24a: {  	v57 =	vld.idx.msk [tilespmem:v49+s16+$0x0], $0xffff;
	v58 =	vor.u32 $0x1B, v12  }
0x24b: {  	v59 =	vld.idx.msk [tilespmem:v52+s15+$0x0], $0xffff;
	v14 =	vmul.f32 v51, v50;
	v13 =	vadd.f32 v15, v13  }
0x24c: {  	v61 =	vor.u32 $0x1C, v12;
	v60 =	vld.idx.msk [tilespmem:v52+s16+$0x0], $0xffff  }
0x24d: {  	v62 =	vld.idx.msk [tilespmem:v55+s15+$0x0], $0xffff;
	v16 =	vmul.f32 v54, v53;
	v13 =	vadd.f32 v14, v13  }
0x24e: {  	v63 =	vld.idx.msk [tilespmem:v55+s16+$0x0], $0xffff;
	v24 =	vor.u32 $0x1D, v12  }
0x24f: {  	v25 =	vld.idx.msk [tilespmem:v58+s15+$0x0], $0xffff;
	v17 =	vmul.f32 v57, v56;
	v13 =	vadd.f32 v16, v13  }
0x250: {  	v26 =	vld.idx.msk [tilespmem:v58+s16+$0x0], $0xffff;
	v27 =	vor.u32 $0x1E, v12  }
0x251: {  	v28 =	vld.idx.msk [tilespmem:v61+s15+$0x0], $0xffff;
	v15 =	vmul.f32 v60, v59;
	v13 =	vadd.f32 v17, v13  }
0x252: {  	v29 =	vld.idx.msk [tilespmem:v61+s16+$0x0], $0xffff;
	v30 =	vor.u32 $0x1F, v12  }
0x253: {  	v31 =	vld.idx.msk [tilespmem:v24+s15+$0x0], $0xffff;
	v14 =	vmul.f32 v63, v62;
	v13 =	vadd.f32 v15, v13  }
0x254: {  	v32 =	vld.idx.msk [tilespmem:v24+s16+$0x0], $0xffff;
	v33 =	vor.u32 $0x20, v12  }
0x255: {  	v34 =	vld.idx.msk [tilespmem:v27+s15+$0x0], $0xffff;
	v16 =	vmul.f32 v26, v25;
	v13 =	vadd.f32 v14, v13  }
0x256: {  	v35 =	vld.idx.msk [tilespmem:v27+s16+$0x0], $0xffff;
	v36 =	vor.u32 $0x21, v12  }
0x257: {  	v37 =	vld.idx.msk [tilespmem:v30+s15+$0x0], $0xffff;
	v17 =	vmul.f32 v29, v28;
	v13 =	vadd.f32 v16, v13  }
0x258: {  	v38 =	vld.idx.msk [tilespmem:v30+s16+$0x0], $0xffff;
	v39 =	vor.u32 $0x22, v12  }
0x259: {  	v40 =	vld.idx.msk [tilespmem:v33+s15+$0x0], $0xffff;
	v15 =	vmul.f32 v32, v31;
	v13 =	vadd.f32 v17, v13  }
0x25a: {  	v41 =	vld.idx.msk [tilespmem:v33+s16+$0x0], $0xffff;
	v42 =	vor.u32 $0x23, v12  }
0x25b: {  	v43 =	vld.idx.msk [tilespmem:v36+s15+$0x0], $0xffff;
	v14 =	vmul.f32 v35, v34;
	v13 =	vadd.f32 v15, v13  }
0x25c: {  	v44 =	vld.idx.msk [tilespmem:v36+s16+$0x0], $0xffff;
	v45 =	vor.u32 $0x24, v12  }
0x25d: {  	v46 =	vld.idx.msk [tilespmem:v39+s15+$0x0], $0xffff;
	v16 =	vmul.f32 v38, v37;
	v13 =	vadd.f32 v14, v13  }
0x25e: {  	v47 =	vld.idx.msk [tilespmem:v39+s16+$0x0], $0xffff;
	v48 =	vor.u32 $0x25, v12  }
0x25f: {  	v49 =	vld.idx.msk [tilespmem:v42+s15+$0x0], $0xffff;
	v17 =	vmul.f32 v41, v40;
	v13 =	vadd.f32 v16, v13  }
0x260: {  	v50 =	vld.idx.msk [tilespmem:v42+s16+$0x0], $0xffff;
	v51 =	vor.u32 $0x26, v12  }
0x261: {  	v52 =	vld.idx.msk [tilespmem:v45+s15+$0x0], $0xffff;
	v15 =	vmul.f32 v44, v43;
	v13 =	vadd.f32 v17, v13  }
0x262: {  	v53 =	vld.idx.msk [tilespmem:v45+s16+$0x0], $0xffff;
	v54 =	vor.u32 $0x27, v12  }
0x263: {  	v55 =	vld.idx.msk [tilespmem:v48+s15+$0x0], $0xffff;
	v14 =	vmul.f32 v47, v46;
	v13 =	vadd.f32 v15, v13  }
0x264: {  	v56 =	vld.idx.msk [tilespmem:v48+s16+$0x0], $0xffff;
	v57 =	vor.u32 $0x28, v12  }
0x265: {  	v58 =	vld.idx.msk [tilespmem:v51+s15+$0x0], $0xffff;
	v16 =	vmul.f32 v50, v49;
	v13 =	vadd.f32 v14, v13  }
0x266: {  	v59 =	vld.idx.msk [tilespmem:v51+s16+$0x0], $0xffff;
	v60 =	vor.u32 $0x29, v12  }
0x267: {  	v61 =	vld.idx.msk [tilespmem:v54+s15+$0x0], $0xffff;
	v17 =	vmul.f32 v53, v52;
	v13 =	vadd.f32 v16, v13  }
0x268: {  	v62 =	vld.idx.msk [tilespmem:v54+s16+$0x0], $0xffff;
	v63 =	vor.u32 $0x2A, v12  }
0x269: {  	v24 =	vld.idx.msk [tilespmem:v57+s15+$0x0], $0xffff;
	v15 =	vmul.f32 v56, v55;
	v13 =	vadd.f32 v17, v13  }
0x26a: {  	v25 =	vld.idx.msk [tilespmem:v57+s16+$0x0], $0xffff;
	v26 =	vor.u32 $0x2B, v12  }
0x26b: {  	v27 =	vld.idx.msk [tilespmem:v60+s15+$0x0], $0xffff;
	v14 =	vmul.f32 v59, v58;
	v13 =	vadd.f32 v15, v13  }
0x26c: {  	v28 =	vld.idx.msk [tilespmem:v60+s16+$0x0], $0xffff;
	v29 =	vor.u32 $0x2C, v12  }
0x26d: {  	v30 =	vld.idx.msk [tilespmem:v63+s15+$0x0], $0xffff;
	v16 =	vmul.f32 v62, v61;
	v13 =	vadd.f32 v14, v13  }
0x26e: {  	v31 =	vld.idx.msk [tilespmem:v63+s16+$0x0], $0xffff;
	v32 =	vor.u32 $0x2D, v12  }
0x26f: {  	v33 =	vld.idx.msk [tilespmem:v26+s15+$0x0], $0xffff;
	v17 =	vmul.f32 v25, v24;
	v13 =	vadd.f32 v16, v13  }
0x270: {  	v34 =	vld.idx.msk [tilespmem:v26+s16+$0x0], $0xffff;
	v35 =	vor.u32 $0x2E, v12  }
0x271: {  	v36 =	vld.idx.msk [tilespmem:v29+s15+$0x0], $0xffff;
	v15 =	vmul.f32 v28, v27;
	v13 =	vadd.f32 v17, v13  }
0x272: {  	v37 =	vld.idx.msk [tilespmem:v29+s16+$0x0], $0xffff;
	v38 =	vor.u32 $0x2F, v12  }
0x273: {  	v39 =	vld.idx.msk [tilespmem:v32+s15+$0x0], $0xffff;
	v14 =	vmul.f32 v31, v30;
	v13 =	vadd.f32 v15, v13  }
0x274: {  	v40 =	vld.idx.msk [tilespmem:v32+s16+$0x0], $0xffff;
	v41 =	vor.u32 $0x30, v12  }
0x275: {  	v42 =	vld.idx.msk [tilespmem:v35+s15+$0x0], $0xffff;
	v16 =	vmul.f32 v34, v33;
	v13 =	vadd.f32 v14, v13  }
0x276: {  	v43 =	vld.idx.msk [tilespmem:v35+s16+$0x0], $0xffff;
	v44 =	vor.u32 $0x31, v12  }
0x277: {  	v45 =	vld.idx.msk [tilespmem:v38+s15+$0x0], $0xffff;
	v17 =	vmul.f32 v37, v36;
	v13 =	vadd.f32 v16, v13  }
0x278: {  	v46 =	vld.idx.msk [tilespmem:v38+s16+$0x0], $0xffff;
	v47 =	vor.u32 $0x32, v12  }
0x279: {  	v48 =	vld.idx.msk [tilespmem:v41+s15+$0x0], $0xffff;
	v15 =	vmul.f32 v40, v39;
	v13 =	vadd.f32 v17, v13  }
0x27a: {  	v49 =	vld.idx.msk [tilespmem:v41+s16+$0x0], $0xffff;
	v50 =	vor.u32 $0x33, v12  }
0x27b: {  	v51 =	vld.idx.msk [tilespmem:v44+s15+$0x0], $0xffff;
	v14 =	vmul.f32 v43, v42;
	v13 =	vadd.f32 v15, v13  }
0x27c: {  	v52 =	vld.idx.msk [tilespmem:v44+s16+$0x0], $0xffff;
	v53 =	vor.u32 $0x34, v12  }
0x27d: {  	v54 =	vld.idx.msk [tilespmem:v47+s15+$0x0], $0xffff;
	v16 =	vmul.f32 v46, v45;
	v13 =	vadd.f32 v14, v13  }
0x27e: {  	v55 =	vld.idx.msk [tilespmem:v47+s16+$0x0], $0xffff;
	v56 =	vor.u32 $0x35, v12  }
0x27f: {  	v57 =	vld.idx.msk [tilespmem:v50+s15+$0x0], $0xffff;
	v17 =	vmul.f32 v49, v48;
	v13 =	vadd.f32 v16, v13  }
0x280: {  	v58 =	vld.idx.msk [tilespmem:v50+s16+$0x0], $0xffff;
	v59 =	vor.u32 $0x36, v12  }
0x281: {  	v60 =	vld.idx.msk [tilespmem:v53+s15+$0x0], $0xffff;
	v15 =	vmul.f32 v52, v51;
	v13 =	vadd.f32 v17, v13  }
0x282: {  	v61 =	vld.idx.msk [tilespmem:v53+s16+$0x0], $0xffff;
	v62 =	vor.u32 $0x37, v12  }
0x283: {  	v63 =	vld.idx.msk [tilespmem:v56+s15+$0x0], $0xffff;
	v14 =	vmul.f32 v55, v54;
	v13 =	vadd.f32 v15, v13  }
0x284: {  	v24 =	vld.idx.msk [tilespmem:v56+s16+$0x0], $0xffff;
	v25 =	vor.u32 $0x38, v12  }
0x285: {  	v26 =	vld.idx.msk [tilespmem:v59+s15+$0x0], $0xffff;
	v16 =	vmul.f32 v58, v57;
	v13 =	vadd.f32 v14, v13  }
0x286: {  	v27 =	vld.idx.msk [tilespmem:v59+s16+$0x0], $0xffff;
	v28 =	vor.u32 $0x39, v12  }
0x287: {  	v29 =	vld.idx.msk [tilespmem:v62+s15+$0x0], $0xffff;
	v17 =	vmul.f32 v61, v60;
	v13 =	vadd.f32 v16, v13  }
0x288: {  	v30 =	vld.idx.msk [tilespmem:v62+s16+$0x0], $0xffff;
	v31 =	vor.u32 $0x3A, v12  }
0x289: {  	v32 =	vld.idx.msk [tilespmem:v25+s15+$0x0], $0xffff;
	v15 =	vmul.f32 v24, v63;
	v13 =	vadd.f32 v17, v13  }
0x28a: {  	v33 =	vld.idx.msk [tilespmem:v25+s16+$0x0], $0xffff;
	v34 =	vor.u32 $0x3B, v12  }
0x28b: {  	v35 =	vld.idx.msk [tilespmem:v28+s15+$0x0], $0xffff;
	v14 =	vmul.f32 v27, v26;
	v13 =	vadd.f32 v15, v13  }
0x28c: {  	v36 =	vld.idx.msk [tilespmem:v28+s16+$0x0], $0xffff;
	v37 =	vor.u32 $0x3C, v12  }
0x28d: {  	v38 =	vld.idx.msk [tilespmem:v31+s15+$0x0], $0xffff;
	v16 =	vmul.f32 v30, v29;
	v13 =	vadd.f32 v14, v13  }
0x28e: {  	v39 =	vld.idx.msk [tilespmem:v31+s16+$0x0], $0xffff;
	v40 =	vor.u32 $0x3D, v12  }
0x28f: {  	v41 =	vld.idx.msk [tilespmem:v34+s15+$0x0], $0xffff;
	v17 =	vmul.f32 v33, v32;
	v13 =	vadd.f32 v16, v13  }
0x290: {  	v42 =	vld.idx.msk [tilespmem:v34+s16+$0x0], $0xffff;
	v43 =	vor.u32 $0x3E, v12  }
0x291: {  	v44 =	vld.idx.msk [tilespmem:v37+s15+$0x0], $0xffff;
	v15 =	vmul.f32 v36, v35;
	v13 =	vadd.f32 v17, v13  }
0x292: {  	v12 =	vor.u32 $0x3F, v12;
	v45 =	vld.idx.msk [tilespmem:v37+s16+$0x0], $0xffff  }
0x293: {  	v46 =	vld.idx.msk [tilespmem:v40+s15+$0x0], $0xffff;
	v14 =	vmul.f32 v39, v38;
	v13 =	vadd.f32 v15, v13  }
0x294: {  	v5 =	vmul.f32 v7, v5;
	v47 =	vld.idx.msk [tilespmem:v40+s16+$0x0], $0xffff  }
0x295: {  	v10 =	vadd.f32 v11, v10;
	v49 =	vmul.f32 v42, v41;
	v50 =	vld.idx.msk [tilespmem:v43+s15+$0x0], $0xffff;
	v48 =	vadd.f32 v14, v13  }
0x296: {  	v3 =	vmul.f32 v6, v3;
	v51 =	vld.idx.msk [tilespmem:v43+s16+$0x0], $0xffff  }
0x297: {  	v5 =	vadd.f32 v5, v10;
	v53 =	vld.idx.msk [tilespmem:v12+s15+$0x0], $0xffff;
	v54 =	vmul.f32 v45, v44;
	v52 =	vadd.f32 v49, v48  }
0x298: {  	v4 =	vmul.f32 v8, v4;
	v55 =	vld.idx.msk [tilespmem:v12+s16+$0x0], $0xffff  }
0x299: {  	s25 =	sadd.s32 $0x10, s25;
	v3 =	vadd.f32 v3, v5;
	v7 =	vmul.f32 v47, v46;
	v56 =	vadd.f32 v54, v52  }
0x29a: {  	s24 =	sadd.s32 $0x10, s24;
	v2 =	vmul.f32 v9, v2;
	v57 =	vld [tilespmem:s25+$0x0]  }
0x29b: {  	v3 =	vadd.f32 v4, v3;
	v58 =	vld [tilespmem:s24+$0x0];
	s25 =	sadd.s32 $0x10, s25;
	v6 =	vmul.f32 v51, v50;
	v7 =	vadd.f32 v7, v56  }
0x29c: {  	s23 =	sadd.s32 $0x10, s23;
	v59 =	vld [tilespmem:s25+$0x0]  }
0x29d: {  	v2 =	vadd.f32 v2, v3;
	s24 =	sadd.s32 $0x10, s24;
	v60 =	vld [tilespmem:s23+$0x0];
	v5 =	vmul.f32 v55, v53;
	v3 =	vadd.f32 v6, v7  }
0x29e: {  	v61 =	vld [tilespmem:s24+$0x0]  }
0x29f: {  	s23 =	sadd.s32 $0x10, s23;
	v2 =	vadd.f32 v2, v57;
	v3 =	vadd.f32 v5, v3  }
0x2a0: {  	v62 =	vld [tilespmem:s23+$0x0]  }
0x2a1: {  	v2 =	vadd.f32 v2, v58;
	v3 =	vadd.f32 v3, v59;
	_ =	sdelay $0x1  }
0x2a2: {  	v4 =	vmul.f32 v2, v60;
	v3 =	vadd.f32 v3, v61;
	_ =	sdelay $0x1  }
0x2a3: {  	v2 =	vmul.f32 v4, v2;
	v63 =	vmul.f32 v3, v62;
	_ =	sdelay $0x1  }
0x2a4: {  	v1 =	vadd.f32 v2, v1;
	v2 =	vmul.f32 v63, v3;
	_ =	sdelay $0x1  }
0x2a5: {  	v1 =	vadd.f32 v2, v1;
	_ =	sdelay $0x1  }
0x2a6: {  	[tilespmem:$0x10A00] =	vst v1  }
0x2a7: {  	[spmem:s10] =	stream.linear.scatter [tilespmem:s21], [sflag:$0x5], $0x10, $0x38;
	[tilespmem:$0x10B20] =	vst v63  }
0x2a8: {  	_ =	swait.ge [sflag:s13], $0x10  }
0x2a9: {  	[sflag:s13] =	ssyncset.done $0x0  }
0x2aa: {  	[sflag:s13] =	ssyncadd.s32 $0xFFFFFFF0  }
0x2ab: {  	s23 =	simm.s32 @!p0 $0x10A10;
	[bflag:$0x0] =	sbarrier.arrive $0xFFFF  }
0x2ac: {  	[tilespmem:s23], [sflag:$0x5] =	stream.linear.gather @!p0 [spmem:s2], $0x100, $0x38;
	[tilespmem:$0x10B20] =	vst v63  }
0x2ad: {  	s23 =	simm.s32 @!p0 $0x5  }
0x2ae: {  	_ =	swait.ge @!p0 [sflag:s23], $0x100  }
0x2af: {  	[sflag:s23] =	ssyncset.done @!p0 $0x0  }
0x2b0: {  	[sflag:s23] =	ssyncadd.s32 @!p0 $0xFFFFFF00  }
0x2b1: {  	v1 =	vld @!p0 [tilespmem:$0x10A10];
	_ =	sdelay $0x1  }
0x2b2: {  	v2 =	vld @!p0 [tilespmem:$0x10A20];
	_ =	sdelay $0x1  }
0x2b3: {  	v3 =	vld @!p0 [tilespmem:$0x10A30]  }
0x2b4: {  	v1 =	vadd.f32 @!p0 $0.0e+00, v1  }
0x2b5: {  	v4 =	vld @!p0 [tilespmem:$0x10A40]  }
0x2b6: {  	v1 =	vadd.f32 @!p0 v2, v1  }
0x2b7: {  	v2 =	vld @!p0 [tilespmem:$0x10A50]  }
0x2b8: {  	v1 =	vadd.f32 @!p0 v3, v1  }
0x2b9: {  	v3 =	vld @!p0 [tilespmem:$0x10A60]  }
0x2ba: {  	v1 =	vadd.f32 @!p0 v4, v1  }
0x2bb: {  	v4 =	vld @!p0 [tilespmem:$0x10A70]  }
0x2bc: {  	v1 =	vadd.f32 @!p0 v2, v1  }
0x2bd: {  	v2 =	vld @!p0 [tilespmem:$0x10A80]  }
0x2be: {  	v1 =	vadd.f32 @!p0 v3, v1  }
0x2bf: {  	v3 =	vld @!p0 [tilespmem:$0x10A90]  }
0x2c0: {  	v1 =	vadd.f32 @!p0 v4, v1  }
0x2c1: {  	v4 =	vld @!p0 [tilespmem:$0x10AA0]  }
0x2c2: {  	v1 =	vadd.f32 @!p0 v2, v1  }
0x2c3: {  	v2 =	vld @!p0 [tilespmem:$0x10AB0]  }
0x2c4: {  	v1 =	vadd.f32 @!p0 v3, v1  }
0x2c5: {  	v3 =	vld @!p0 [tilespmem:$0x10AC0]  }
0x2c6: {  	v1 =	vadd.f32 @!p0 v4, v1  }
0x2c7: {  	v4 =	vld @!p0 [tilespmem:$0x10AD0]  }
0x2c8: {  	v1 =	vadd.f32 @!p0 v2, v1  }
0x2c9: {  	v2 =	vld @!p0 [tilespmem:$0x10AE0]  }
0x2ca: {  	v1 =	vadd.f32 @!p0 v3, v1  }
0x2cb: {  	v3 =	vld @!p0 [tilespmem:$0x10AF0]  }
0x2cc: {  	v1 =	vadd.f32 @!p0 v4, v1  }
0x2cd: {  	v4 =	vld @!p0 [tilespmem:$0x10B00]  }
0x2ce: {  	v1 =	vadd.f32 @!p0 v2, v1;
	_ =	sdelay $0x1  }
0x2cf: {  	v1 =	vadd.f32 @!p0 v3, v1;
	_ =	sdelay $0x1  }
0x2d0: {  	v1 =	vadd.f32 @!p0 v4, v1;
	_ =	sdelay $0x1  }
0x2d1: {  	(xrf2) =	vadd.scan.msk.f32 @!p0 $0xffff, v1;
	_ =	sdelay $0x9  }
0x2d2: {  	v1, _, _ =	vpop @!p0 (xrf2)  }
0x2d3: {  	s22 =	sadd.s32 $0x1, s22;
	v1 =	vbroadcast @!p0 v1, $0xF  }
0x2d4: {  	p1 =	sne.s32 s22, s12  }
.Ltmp1:
0x2d5: {  	s25 =	simm.s32 @!p0 $0x10A00;
	s24 =	simm.s32 @!p0 $0x0;
	[tilespmem:$0x10A00] =	vst @!p0 v1;
	(pc) =	sbr.rel @p1 .LBB2_1-.Ltmp1, $4  }
0x2d6: {  	[hbm4b:s11+s24] =	stream.linear.scatter @!p0 [tilespmem:s25], [sflag:$0x5], $0x10, $0x38;
	[tilespmem:$0x10B20] =	vst v63  }
0x2d7: {  	_ =	swait.ge @!p0 [sflag:s23], $0x10  }
0x2d8: {  	[sflag:s23] =	ssyncset.done @!p0 $0x0  }
0x2d9: {  	[sflag:s23] =	ssyncadd.s32 @!p0 $0xFFFFFFF0  }
0x2da: {  	_ =	sfence.sel $0x180000  }
0x2db: {  	[bflag:$0x0] =	sbarrier.arrive $0xFFFF  }
0x2dc: {  	_ =	strace $0x90000047  }
0x2dd: {  	s0 =	sadd.s32 @!p0 $0x100000, s0;
	[bflag:$0x2] =	sbarrier.arrive $0xFFFF  }
0x2de: {  	[sflag:s0] =	ssyncadd.tile.s32 @!p0 $0x1;
	_ =	shalt  }
.Lfunc_end2:
_tile_overlayer_lowered:
.L_overlay_start_2:
0x2df: {  	(tag) =	ssettag $0x2  }
0x2e0: {  	s0 =	rddreg [dreg:$0x0];
	s2 =	stileid.u32  }
0x2e1: {  	s1 =	rddreg [dreg:$0x1];
	p0 =	sne.s32 s2, $0x0  }
0x2e2: {  	s3 =	rddreg [dreg:$0x2];
	[bflag:$0x3] =	sbarrier.arrive $0xFFFF;
	s2 =	simm.s32 @!p0 $0x1C05  }
0x2e3: {  	[timem:s3], [sflag:s2] =	dma.local @!p0 [hbm:s0], s1  }
0x2e4: {  	s0 =	simm.s32 @!p0 $0x5  }
0x2e5: {  	_ =	swait.ge @!p0 [sflag:s0], s1  }
0x2e6: {  	s1 =	ssub.s32 @!p0 $0x0, s1;
	[sflag:s0] =	ssyncset.done @!p0 $0x0  }
0x2e7: {  	[sflag:s0] =	ssyncadd.s32 @!p0 s1  }
0x2e8: {  	[bflag:$0x3] =	sbarrier.arrive $0xFFFF  }
0x2e9: {  	_ =	shalt  }

</sc_bundles>
